<compile_context>
chip_gen: v7x
topology: tpu7x:2x2x1
jax: 0.10.2.dev20260603
libtpu: 0.0.44.dev20260713+nightly
codegen_flags: <defaults>
</compile_context>

<pallas_src>
import functools

import jax
import jax.numpy as jnp
from jax import lax
from jax.experimental import pallas as pl
from jax.experimental.pallas import tpu as pltpu
from jax.experimental.pallas import tpu_sc as plsc

NC = 2
NS = 16
NW = NC * NS
CHUNK = 128
ZROWS = 128

_MESH = dict(core_axis_name="c", subcore_axis_name="s", num_cores=NC,
             num_subcores=NS)


CPP = 40


def _make_agg(n_pad, D, e_pad, tc_tiling=True):
  T = e_pad // CHUNK
  cps = T // NW
  assert cps % CPP == 0, (T, cps)
  n_ph = cps // CPP
  n_pairs = CPP // 2
  rows_per_sub = n_pad // NS
  n_zc = rows_per_sub // ZROWS
  mesh = plsc.VectorSubcoreMesh(**_MESH)

  @functools.partial(
      pl.kernel,
      mesh=mesh,
      out_type=jax.ShapeDtypeStruct((NC, n_pad, D), jnp.float32),
      compiler_params=pltpu.CompilerParams(use_tc_tiling_on_sc=tc_tiling),
      scratch_types=[
          pltpu.VMEM((CPP * CHUNK,), jnp.int32),
          pltpu.VMEM((CPP, CHUNK), jnp.int32),
          pltpu.VMEM((CHUNK, D), jnp.float32),
          pltpu.VMEM((CHUNK, D), jnp.float32),
          pltpu.VMEM_SHARED((n_pad, D), jnp.float32),
          pltpu.SemaphoreType.DMA,
          pltpu.SemaphoreType.DMA,
      ],
  )
  def agg(p_hbm, src_hbm, dst2_hbm, out_hbm, src_v, dst_v, rows0, rows1,
          acc_sh, gsem0, gsem1):
    cid = lax.axis_index("c")
    sid = lax.axis_index("s")
    wid = cid * NS + sid

    def gather_desc(c, rows, gsem):
      return pltpu.make_async_copy(
          p_hbm.at[src_v.at[pl.ds(c * CHUNK, CHUNK)]], rows, gsem)

    zv = jnp.zeros((16,), jnp.float32)

    def zrow(i, carry):
      def zcol(c2, carry2):
        rows0[i, pl.ds(c2 * 16, 16)] = zv
        return carry2
      return lax.fori_loop(0, D // 16, zcol, carry)
    lax.fori_loop(0, CHUNK, zrow, 0)

    def zchunk(k2, carry):
      pltpu.sync_copy(rows0.at[pl.ds(0, ZROWS)],
                      acc_sh.at[pl.ds(sid * rows_per_sub + k2 * ZROWS,
                                      ZROWS)])
      return carry
    lax.fori_loop(0, n_zc, zchunk, 0)

    plsc.subcore_barrier()

    def phase(ph, carry):
      cbase = wid * cps + ph * CPP
      pltpu.sync_copy(src_hbm.at[pl.ds(cbase * CHUNK, CPP * CHUNK)], src_v)
      pltpu.sync_copy(dst2_hbm.at[pl.ds(cbase, CPP)], dst_v)
      gather_desc(0, rows0, gsem0).start()

      def pair(i, carry2):
        c0 = 2 * i
        gather_desc(c0 + 1, rows1, gsem1).start()
        gather_desc(c0, rows0, gsem0).wait()
        pltpu.sync_copy(rows0, acc_sh.at[dst_v.at[c0]], add=True)

        @pl.when(i + 1 < n_pairs)
        def _():
          gather_desc(c0 + 2, rows0, gsem0).start()
        gather_desc(c0 + 1, rows1, gsem1).wait()
        pltpu.sync_copy(rows1, acc_sh.at[dst_v.at[c0 + 1]], add=True)
        return carry2
      lax.fori_loop(0, n_pairs, pair, 0)
      return carry
    lax.fori_loop(0, n_ph, phase, 0)

    plsc.subcore_barrier()
    pltpu.sync_copy(acc_sh.at[pl.ds(sid * rows_per_sub, rows_per_sub)],
                    out_hbm.at[cid, pl.ds(sid * rows_per_sub, rows_per_sub)])

  return agg


def _make_deg(n_pad, e_pad):
  D = 16
  e_per_w = e_pad // NW
  n_chunks = e_per_w // CHUNK
  rows_per_sub = n_pad // NS
  n_zc = rows_per_sub // ZROWS
  mesh = plsc.VectorSubcoreMesh(**_MESH)

  @functools.partial(
      pl.kernel,
      mesh=mesh,
      out_type=jax.ShapeDtypeStruct((NC, n_pad, D), jnp.float32),
      compiler_params=pltpu.CompilerParams(use_tc_tiling_on_sc=False),
      scratch_types=[
          pltpu.VMEM((n_chunks, CHUNK), jnp.int32),
          pltpu.VMEM((CHUNK, D), jnp.float32),
          pltpu.VMEM((ZROWS, D), jnp.float32),
          pltpu.VMEM_SHARED((n_pad, D), jnp.float32),
      ],
  )
  def deg(dst2_hbm, out_hbm, dst_v, ones_v, zero_v, acc_sh):
    cid = lax.axis_index("c")
    sid = lax.axis_index("s")
    wid = sid * NC + cid

    onehot = jnp.where(lax.iota(jnp.int32, 16) == 0, 1.0, 0.0).astype(
        jnp.float32)
    zv = jnp.zeros((16,), jnp.float32)

    def frow(i, carry):
      ones_v[i, pl.ds(0, 16)] = onehot
      zero_v[i, pl.ds(0, 16)] = zv
      return carry
    lax.fori_loop(0, CHUNK, frow, 0)

    def zchunk(k, carry):
      pltpu.sync_copy(zero_v,
                      acc_sh.at[pl.ds(sid * rows_per_sub + k * ZROWS, ZROWS)])
      return carry
    lax.fori_loop(0, n_zc, zchunk, 0)

    pltpu.sync_copy(dst2_hbm.at[pl.ds(wid * n_chunks, n_chunks)], dst_v)

    plsc.subcore_barrier()

    def chunk(j, carry):
      pltpu.sync_copy(ones_v, acc_sh.at[dst_v.at[j]], add=True)
      return carry
    lax.fori_loop(0, n_chunks, chunk, 0)

    plsc.subcore_barrier()
    pltpu.sync_copy(acc_sh.at[pl.ds(sid * rows_per_sub, rows_per_sub)],
                    out_hbm.at[cid, pl.ds(sid * rows_per_sub, rows_per_sub)])

  return deg


def _dis_from_deg(deg_block):
  deg = jnp.sum(deg_block[0] + deg_block[1], axis=1) + 1.0
  return lax.rsqrt(deg)


def _prep(x_p, degpart):
  n, F = x_p.shape
  B = 2000
  grid = n // B

  def body(deg_ref, x_ref, px_ref):
    dis = _dis_from_deg(deg_ref[...])
    px_ref[...] = x_ref[...] * dis[:, None]

  return pl.pallas_call(
      body,
      grid=(grid,),
      in_specs=[
          pl.BlockSpec((2, B, 16), lambda i: (0, i, 0)),
          pl.BlockSpec((B, F), lambda i: (i, 0)),
      ],
      out_specs=pl.BlockSpec((B, F), lambda i: (i, 0)),
      out_shape=jax.ShapeDtypeStruct((n, F), jnp.float32),
  )(degpart, x_p)


def _mlp(part, px, degpart, W1, b1, W2p):
  n, F = px.shape
  H = W1.shape[1]
  D2 = W2p.shape[1]
  B = 1000
  grid = n // B

  def body(part_ref, px_ref, deg_ref, w1_ref, b1_ref, w2_ref, out_ref):
    dis = _dis_from_deg(deg_ref[...])
    pr = part_ref[...]
    agg = (pr[0] + pr[1] + px_ref[...]) * dis[:, None]
    h1 = jnp.dot(agg, w1_ref[...], preferred_element_type=jnp.float32)
    h1 = jnp.maximum(h1 + b1_ref[...], 0.0)
    h2 = jnp.dot(h1, w2_ref[...], preferred_element_type=jnp.float32)
    out_ref[...] = h2 * dis[:, None]

  return pl.pallas_call(
      body,
      grid=(grid,),
      in_specs=[
          pl.BlockSpec((2, B, F), lambda i: (0, i, 0)),
          pl.BlockSpec((B, F), lambda i: (i, 0)),
          pl.BlockSpec((2, B, 16), lambda i: (0, i, 0)),
          pl.BlockSpec((F, H), lambda i: (0, 0)),
          pl.BlockSpec((1, H), lambda i: (0, 0)),
          pl.BlockSpec((H, D2), lambda i: (0, 0)),
      ],
      out_specs=pl.BlockSpec((B, D2), lambda i: (i, 0)),
      out_shape=jax.ShapeDtypeStruct((n, D2), jnp.float32),
  )(part, px, degpart, W1, b1, W2p)


def _final(part2, ph2, degpart, b2p, n_out):
  n, D2 = ph2.shape
  B = 2000
  grid = n // B

  def body(part_ref, ph2_ref, deg_ref, b2_ref, out_ref):
    dis = _dis_from_deg(deg_ref[...])
    pr = part_ref[...]
    y = (pr[0] + pr[1] + ph2_ref[...]) * dis[:, None] + b2_ref[...]
    col = lax.broadcasted_iota(jnp.int32, (B, D2), 1)
    valid = col < n_out
    yv = jnp.where(valid, y, -1e30)
    m = jnp.max(yv, axis=1, keepdims=True)
    e = jnp.where(valid, jnp.exp(yv - m), 0.0)
    s = jnp.sum(e, axis=1, keepdims=True)
    out_ref[...] = (y - m - jnp.log(s))[:, :n_out]

  return pl.pallas_call(
      body,
      grid=(grid,),
      in_specs=[
          pl.BlockSpec((2, B, D2), lambda i: (0, i, 0)),
          pl.BlockSpec((B, D2), lambda i: (i, 0)),
          pl.BlockSpec((2, B, 16), lambda i: (0, i, 0)),
          pl.BlockSpec((1, D2), lambda i: (0, 0)),
      ],
      out_specs=pl.BlockSpec((B, n_out), lambda i: (i, 0)),
      out_shape=jax.ShapeDtypeStruct((n, n_out), jnp.float32),
  )(part2, ph2, degpart, b2p)


def _round_up(v, m):
  return (v + m - 1) // m * m


@jax.jit
def kernel(x, edge_index, W1, b1, W2, b2):
  n, in_f = x.shape
  e = edge_index.shape[1]
  n_pad = _round_up(n + 1, NS * ZROWS)
  e_pad = _round_up(e, NW * CPP * CHUNK)
  d2 = _round_up(W2.shape[1], 16)

  src = edge_index[0].astype(jnp.int32)
  dst = edge_index[1].astype(jnp.int32)
  arange_pad = jnp.arange(e_pad - e, dtype=jnp.int32)
  src_pad = arange_pad % n
  dst_pad = n + (arange_pad % (n_pad - n))
  src_p = jnp.concatenate([src, src_pad])
  dst_p = jnp.concatenate([dst, dst_pad])

  W2p = jnp.zeros((W2.shape[0], d2), jnp.float32).at[:, :W2.shape[1]].set(W2)
  b1r = b1.reshape(1, -1)
  b2p = jnp.zeros((1, d2), jnp.float32).at[0, :W2.shape[1]].set(b2)

  dst2 = dst_p.reshape(e_pad // CHUNK, CHUNK)

  degpart = _make_deg(n_pad, e_pad)(dst2)
  px = _prep(x, degpart)
  part1 = _make_agg(n_pad, in_f, e_pad)(px, src_p, dst2)
  ph2 = _mlp(part1, px, degpart, W1, b1r, W2p)
  part2 = _make_agg(n_pad, d2, e_pad, tc_tiling=False)(ph2, src_p, dst2)
  return _final(part2, ph2, degpart, b2p, W2.shape[1])

# --- scband reference (transcript-rebuilt; emitter-appended) ---
"""Pipeline reference for scband-gcn-no-layers-6090263626386 (READ-ONLY COPY).

The authoritative reference and input builder live on the scoring server;
editing this copy changes nothing except your own understanding.
"""

import jax, jax.numpy as jnp
import numpy as np

N_NODES = 10000


def gcn_conv(x, edge_index, W, b):
    num_nodes = x.shape[0]
    src = edge_index[0]
    dst = edge_index[1]
    # add self loops (PyG GCNConv default add_self_loops=True)
    loop = jnp.arange(num_nodes, dtype=src.dtype)
    src = jnp.concatenate([src, loop])
    dst = jnp.concatenate([dst, loop])
    # symmetric normalization with unit edge weights
    deg = jnp.zeros((num_nodes,), dtype=x.dtype).at[dst].add(1.0)
    deg_inv_sqrt = jnp.where(deg > 0, deg ** -0.5, 0.0)
    norm = deg_inv_sqrt[src] * deg_inv_sqrt[dst]
    # linear transform then message passing (gather -> scale -> scatter-add)
    h = x @ W
    msgs = h[src] * norm[:, None]
    out = jnp.zeros((num_nodes, W.shape[1]), dtype=x.dtype).at[dst].add(msgs)
    return out + b


def setup_inputs(seed: int = 0) -> dict:
    key = jax.random.key(seed)
    k_x, k_e, k_w1, k_b1, k_w2, k_b2 = jax.random.split(key, 6)
    in_channels, hidden_dim, output_dim = 128, 256, 40
    x = jax.random.normal(k_x, (N_NODES, in_channels), dtype=jnp.float32)
    edge_index = jax.random.randint(k_e, (2, 320000), 0, N_NODES, dtype=jnp.int64)
    # Glorot-style init for GCNConv weights, zero bias (PyG default)
    s1 = (6.0 / (in_channels + hidden_dim)) ** 0.5
    W1 = jax.random.uniform(k_w1, (in_channels, hidden_dim), dtype=jnp.float32, minval=-s1, maxval=s1)
    b1 = jnp.zeros((hidden_dim,), dtype=jnp.float32)
    s2 = (6.0 / (hidden_dim + output_dim)) ** 0.5
    W2 = jax.random.uniform(k_w2, (hidden_dim, output_dim), dtype=jnp.float32, minval=-s2, maxval=s2)
    b2 = jnp.zeros((output_dim,), dtype=jnp.float32)
    return {"x": x, "edge_index": edge_index, "W1": W1, "b1": b1, "W2": W2, "b2": b2}


def reference(x, edge_index, W1, b1, W2, b2):
    h = gcn_conv(x, edge_index, W1, b1)
    h = jax.nn.relu(h)
    # F.dropout(training=self.training): identity in eval mode
    h = gcn_conv(h, edge_index, W2, b2)
    return jax.nn.log_softmax(h, axis=1)

if __name__ == "__main__":
    import jax
    _d = setup_inputs()
    print(jax.jit(kernel)(*tuple(_d.values())))

</pallas_src>

<mosaic_0001>
#map = affine_map<(d0, d1) -> (0, 0)>
#map1 = affine_map<(d0, d1) -> (0)>
#map2 = affine_map<(d0, d1) -> (0, 0, 0)>
module attributes {stable_mosaic.version = 14 : i64} {
  func.func @agg(%arg0: i32, %arg1: i32, %arg2: memref<10000x48xf32, #tpu.memory_space<hbm>>, %arg3: memref<327680xi32, #tpu.memory_space<hbm>>, %arg4: memref<2560x128xi32, #tpu.memory_space<hbm>>, %arg5: memref<2x10240x48xf32, #tpu.memory_space<hbm>>, %arg6: memref<5120xi32, #tpu.memory_space<vmem>>, %arg7: memref<40x128xi32, #tpu.memory_space<vmem>>, %arg8: memref<128x48xf32, #tpu.memory_space<vmem>>, %arg9: memref<128x48xf32, #tpu.memory_space<vmem>>, %arg10: memref<10240x48xf32, #tpu.memory_space<vmem_shared>>, %arg11: memref<!tpu.dma_semaphore, #tpu.memory_space<semaphore_mem>>, %arg12: memref<!tpu.dma_semaphore, #tpu.memory_space<semaphore_mem>>) attributes {dimension_semantics = [#tpu.dimension_semantics<core_parallel>, #tpu.dimension_semantics<subcore_parallel>], iteration_bounds = array<i64: 2, 16>, scalar_prefetch = 0 : i64, scratch_operands = 7 : i64, tpu.core_type = #tpu.core_type<sc_vector_subcore>, window_params = [{transform_indices = #map}, {transform_indices = #map1}, {transform_indices = #map}, {transform_indices = #map2}]} {
    %mul3A = arith.constant 16 : i32
    %mul3A_0 = arith.muli %arg0, %mul3A : i32
    %add3A = arith.addi %mul3A_0, %arg1 : i32
    %broadcast_in_dim3A = arith.constant 0.000000e+00 : f32
    %broadcast_in_dim3A_1 = vector.broadcast %broadcast_in_dim3A : f32 to vector<16xf32>
    %scan3A = arith.constant 0 : i32
    %scan3A_2 = arith.constant 0 : i32
    %scan3A_3 = arith.constant 128 : i32
    %scan3A_4 = arith.addi %scan3A_2, %scan3A_3 : i32
    %scan3A_5 = arith.constant 1 : i32
    scf.for %scan3A_24 = %scan3A_2 to %scan3A_4 step %scan3A_5  : i32 {
      %scan3A_25 = arith.constant 0 : i32
      %scan3A_26 = arith.constant 3 : i32
      %scan3A_27 = arith.addi %scan3A_25, %scan3A_26 : i32
      %scan3A_28 = arith.constant 1 : i32
      scf.for %scan3A_30 = %scan3A_25 to %scan3A_27 step %scan3A_28  : i32 {
        %mul3A_31 = arith.constant 16 : i32
        %mul3A_32 = arith.muli %scan3A_30, %mul3A_31 : i32
        %swap3A = arith.index_cast %scan3A_24 : i32 to index
        %swap3A_33 = arith.index_cast %mul3A_32 : i32 to index
        %swap3A_34 = tpu.vector_load %arg8[%swap3A, %swap3A_33] {strides = array<i32>} : memref<128x48xf32, #tpu.memory_space<vmem>>, vector<1x16xf32>,
        %swap3A_35 = vector.shape_cast %swap3A_34 : vector<1x16xf32> to vector<16xf32>
        %swap3A_36 = vector.shape_cast %broadcast_in_dim3A_1 : vector<16xf32> to vector<1x16xf32>
        tpu.vector_store %arg8[%swap3A, %swap3A_33], %swap3A_36 {strides = array<i32>} : memref<128x48xf32, #tpu.memory_space<vmem>>, vector<1x16xf32>,
      }
      %scan3A_29 = arith.constant 3 : i32
    }
    %scan3A_6 = arith.constant 128 : i32
    %scan3A_7 = arith.constant 0 : i32
    %scan3A_8 = arith.constant 0 : i32
    %scan3A_9 = arith.constant 5 : i32
    %scan3A_10 = arith.addi %scan3A_8, %scan3A_9 : i32
    %scan3A_11 = arith.constant 1 : i32
    scf.for %scan3A_24 = %scan3A_8 to %scan3A_10 step %scan3A_11  : i32 {
      %mul3A_25 = arith.constant 640 : i32
      %mul3A_26 = arith.muli %arg1, %mul3A_25 : i32
      %mul3A_27 = arith.constant 128 : i32
      %mul3A_28 = arith.muli %scan3A_24, %mul3A_27 : i32
      %add3A_29 = arith.addi %mul3A_26, %mul3A_28 : i32
      "tpu.region"() ({
        %run_scoped3A = tpu.sem_alloc : memref<!tpu.dma_semaphore, #tpu.memory_space<semaphore_mem>>
        %dma_start3A = arith.constant 0 : i32
        %dma_start3A_30 = arith.constant 0 : i32
        %dma_start3A_31 = tpu.memref_slice %arg8[%dma_start3A, %dma_start3A_30] : memref<128x48xf32, #tpu.memory_space<vmem>> -> memref<128x48xf32, #tpu.memory_space<vmem>>
        %dma_start3A_32 = arith.constant 0 : i32
        %dma_start3A_33 = tpu.memref_slice %arg10[%add3A_29, %dma_start3A_32] : memref<10240x48xf32, #tpu.memory_space<vmem_shared>> -> memref<128x48xf32, #tpu.memory_space<vmem_shared>>
        %dma_start3A_34 = arith.constant 0 : i32
        %dma_start3A_35 = tpu.memref_slice %arg10[%add3A_29, %dma_start3A_34] : memref<10240x48xf32, #tpu.memory_space<vmem_shared>> -> memref<128x48xf32, #tpu.memory_space<vmem_shared>>
        %dma_start3A_36 = arith.constant 0 : i32
        %dma_start3A_37 = arith.constant 0 : i32
        %dma_start3A_38 = tpu.memref_slice %arg8[%dma_start3A_36, %dma_start3A_37] : memref<128x48xf32, #tpu.memory_space<vmem>> -> memref<128x48xf32, #tpu.memory_space<vmem>>
        tpu.enqueue_dma source(%dma_start3A_38 : memref<128x48xf32, #tpu.memory_space<vmem>>) target(%dma_start3A_35 : memref<128x48xf32, #tpu.memory_space<vmem_shared>>) target_semaphore(%run_scoped3A : memref<!tpu.dma_semaphore, #tpu.memory_space<semaphore_mem>>)
        %dma_wait3A = arith.constant 0 : i32
        %dma_wait3A_39 = arith.constant 0 : i32
        %dma_wait3A_40 = tpu.memref_slice %arg8[%dma_wait3A, %dma_wait3A_39] : memref<128x48xf32, #tpu.memory_space<vmem>> -> memref<128x48xf32, #tpu.memory_space<vmem>>
        %dma_wait3A_41 = arith.constant 0 : i32
        %dma_wait3A_42 = tpu.memref_slice %arg10[%add3A_29, %dma_wait3A_41] : memref<10240x48xf32, #tpu.memory_space<vmem_shared>> -> memref<128x48xf32, #tpu.memory_space<vmem_shared>>
        %dma_wait3A_43 = arith.constant 0 : i32
        %dma_wait3A_44 = tpu.memref_slice %arg10[%add3A_29, %dma_wait3A_43] : memref<10240x48xf32, #tpu.memory_space<vmem_shared>> -> memref<128x48xf32, #tpu.memory_space<vmem_shared>>
        %dma_wait3A_45 = arith.constant 0 : i32
        %dma_wait3A_46 = arith.constant 0 : i32
        %dma_wait3A_47 = tpu.memref_slice %arg8[%dma_wait3A_45, %dma_wait3A_46] : memref<128x48xf32, #tpu.memory_space<vmem>> -> memref<128x48xf32, #tpu.memory_space<vmem>>
        tpu.wait_dma2 semaphore(%run_scoped3A : memref<!tpu.dma_semaphore, #tpu.memory_space<semaphore_mem>>) src(%dma_wait3A_47 : memref<128x48xf32, #tpu.memory_space<vmem>>) dst(%dma_wait3A_44 : memref<128x48xf32, #tpu.memory_space<vmem_shared>>)
        tpu.yield
      }) : () -> ()
    }
    %scan3A_12 = arith.constant 5 : i32
    %barrier3A = arith.constant 0 : index
    tpu.barrier barrier_id(%barrier3A)
    %scan3A_13 = arith.constant 0 : i32
    %scan3A_14 = arith.constant 0 : i32
    %scan3A_15 = arith.constant 2 : i32
    %scan3A_16 = arith.addi %scan3A_14, %scan3A_15 : i32
    %scan3A_17 = arith.constant 1 : i32
    scf.for %scan3A_24 = %scan3A_14 to %scan3A_16 step %scan3A_17  : i32 {
      %mul3A_25 = arith.constant 80 : i32
      %mul3A_26 = arith.muli %add3A, %mul3A_25 : i32
      %mul3A_27 = arith.constant 40 : i32
      %mul3A_28 = arith.muli %scan3A_24, %mul3A_27 : i32
      %add3A_29 = arith.addi %mul3A_26, %mul3A_28 : i32
      %mul3A_30 = arith.constant 128 : i32
      %mul3A_31 = arith.muli %add3A_29, %mul3A_30 : i32
      "tpu.region"() ({
        %run_scoped3A = tpu.sem_alloc : memref<!tpu.dma_semaphore, #tpu.memory_space<semaphore_mem>>
        %dma_start3A_42 = tpu.memref_slice %arg3[%mul3A_31] : memref<327680xi32, #tpu.memory_space<hbm>> -> memref<5120xi32, #tpu.memory_space<hbm>>
        %dma_start3A_43 = tpu.memref_slice %arg3[%mul3A_31] : memref<327680xi32, #tpu.memory_space<hbm>> -> memref<5120xi32, #tpu.memory_space<hbm>>
        tpu.enqueue_dma source(%dma_start3A_43 : memref<5120xi32, #tpu.memory_space<hbm>>) target(%arg6 : memref<5120xi32, #tpu.memory_space<vmem>>) target_semaphore(%run_scoped3A : memref<!tpu.dma_semaphore, #tpu.memory_space<semaphore_mem>>)
        %dma_wait3A = tpu.memref_slice %arg3[%mul3A_31] : memref<327680xi32, #tpu.memory_space<hbm>> -> memref<5120xi32, #tpu.memory_space<hbm>>
        %dma_wait3A_44 = tpu.memref_slice %arg3[%mul3A_31] : memref<327680xi32, #tpu.memory_space<hbm>> -> memref<5120xi32, #tpu.memory_space<hbm>>
        tpu.wait_dma2 semaphore(%run_scoped3A : memref<!tpu.dma_semaphore, #tpu.memory_space<semaphore_mem>>) src(%dma_wait3A_44 : memref<5120xi32, #tpu.memory_space<hbm>>) dst(%arg6 : memref<5120xi32, #tpu.memory_space<vmem>>)
        tpu.yield
      }) : () -> ()
      "tpu.region"() ({
        %run_scoped3A = tpu.sem_alloc : memref<!tpu.dma_semaphore, #tpu.memory_space<semaphore_mem>>
        %dma_start3A_42 = arith.constant 0 : i32
        %dma_start3A_43 = tpu.memref_slice %arg4[%add3A_29, %dma_start3A_42] : memref<2560x128xi32, #tpu.memory_space<hbm>> -> memref<40x128xi32, #tpu.memory_space<hbm>>
        %dma_start3A_44 = arith.constant 0 : i32
        %dma_start3A_45 = tpu.memref_slice %arg4[%add3A_29, %dma_start3A_44] : memref<2560x128xi32, #tpu.memory_space<hbm>> -> memref<40x128xi32, #tpu.memory_space<hbm>>
        tpu.enqueue_dma source(%dma_start3A_45 : memref<40x128xi32, #tpu.memory_space<hbm>>) target(%arg7 : memref<40x128xi32, #tpu.memory_space<vmem>>) target_semaphore(%run_scoped3A : memref<!tpu.dma_semaphore, #tpu.memory_space<semaphore_mem>>)
        %dma_wait3A = arith.constant 0 : i32
        %dma_wait3A_46 = tpu.memref_slice %arg4[%add3A_29, %dma_wait3A] : memref<2560x128xi32, #tpu.memory_space<hbm>> -> memref<40x128xi32, #tpu.memory_space<hbm>>
        %dma_wait3A_47 = arith.constant 0 : i32
        %dma_wait3A_48 = tpu.memref_slice %arg4[%add3A_29, %dma_wait3A_47] : memref<2560x128xi32, #tpu.memory_space<hbm>> -> memref<40x128xi32, #tpu.memory_space<hbm>>
        tpu.wait_dma2 semaphore(%run_scoped3A : memref<!tpu.dma_semaphore, #tpu.memory_space<semaphore_mem>>) src(%dma_wait3A_48 : memref<40x128xi32, #tpu.memory_space<hbm>>) dst(%arg7 : memref<40x128xi32, #tpu.memory_space<vmem>>)
        tpu.yield
      }) : () -> ()
      %dma_start3A = arith.constant 0 : i32
      %dma_start3A_32 = tpu.memref_slice %arg6[%dma_start3A] : memref<5120xi32, #tpu.memory_space<vmem>> -> memref<128xi32, #tpu.memory_space<vmem>>
      %dma_start3A_33 = arith.constant 0 : i32
      %dma_start3A_34 = arith.constant 0 : i32
      %dma_start3A_35 = tpu.memref_slice %arg2[%dma_start3A_33, %dma_start3A_34] : memref<10000x48xf32, #tpu.memory_space<hbm>> -> memref<10000x48xf32, #tpu.memory_space<hbm>>
      tpu.enqueue_indirect_dma source(%dma_start3A_35 : memref<10000x48xf32, #tpu.memory_space<hbm>>) target(%arg8 : memref<128x48xf32, #tpu.memory_space<vmem>>) offsets(%dma_start3A_32 : memref<128xi32, #tpu.memory_space<vmem>>) semaphore(%arg11 : memref<!tpu.dma_semaphore, #tpu.memory_space<semaphore_mem>>)
      %scan3A_36 = arith.constant 0 : i32
      %scan3A_37 = arith.constant 0 : i32
      %scan3A_38 = arith.constant 20 : i32
      %scan3A_39 = arith.addi %scan3A_37, %scan3A_38 : i32
      %scan3A_40 = arith.constant 1 : i32
      scf.for %scan3A_42 = %scan3A_37 to %scan3A_39 step %scan3A_40  : i32 {
        %mul3A_43 = arith.constant 2 : i32
        %mul3A_44 = arith.muli %mul3A_43, %scan3A_42 : i32
        %add3A_45 = arith.constant 1 : i32
        %add3A_46 = arith.addi %mul3A_44, %add3A_45 : i32
        %mul3A_47 = arith.constant 128 : i32
        %mul3A_48 = arith.muli %add3A_46, %mul3A_47 : i32
        %dma_start3A_49 = tpu.memref_slice %arg6[%mul3A_48] : memref<5120xi32, #tpu.memory_space<vmem>> -> memref<128xi32, #tpu.memory_space<vmem>>
        %dma_start3A_50 = arith.constant 0 : i32
        %dma_start3A_51 = arith.constant 0 : i32
        %dma_start3A_52 = tpu.memref_slice %arg2[%dma_start3A_50, %dma_start3A_51] : memref<10000x48xf32, #tpu.memory_space<hbm>> -> memref<10000x48xf32, #tpu.memory_space<hbm>>
        tpu.enqueue_indirect_dma source(%dma_start3A_52 : memref<10000x48xf32, #tpu.memory_space<hbm>>) target(%arg9 : memref<128x48xf32, #tpu.memory_space<vmem>>) offsets(%dma_start3A_49 : memref<128xi32, #tpu.memory_space<vmem>>) semaphore(%arg12 : memref<!tpu.dma_semaphore, #tpu.memory_space<semaphore_mem>>)
        %mul3A_53 = arith.constant 128 : i32
        %mul3A_54 = arith.muli %mul3A_44, %mul3A_53 : i32
        %dma_wait3A = tpu.memref_slice %arg6[%mul3A_54] : memref<5120xi32, #tpu.memory_space<vmem>> -> memref<128xi32, #tpu.memory_space<vmem>>
        %dma_wait3A_55 = arith.constant 0 : i32
        %dma_wait3A_56 = arith.constant 0 : i32
        %dma_wait3A_57 = tpu.memref_slice %arg2[%dma_wait3A_55, %dma_wait3A_56] : memref<10000x48xf32, #tpu.memory_space<hbm>> -> memref<10000x48xf32, #tpu.memory_space<hbm>>
        tpu.wait_indirect_dma semaphore(%arg11 : memref<!tpu.dma_semaphore, #tpu.memory_space<semaphore_mem>>) src(%dma_wait3A_57 : memref<10000x48xf32, #tpu.memory_space<hbm>>) dst(%arg8 : memref<128x48xf32, #tpu.memory_space<vmem>>)
        "tpu.region"() ({
          %run_scoped3A = tpu.sem_alloc : memref<!tpu.dma_semaphore, #tpu.memory_space<semaphore_mem>>
          %dma_start3A_72 = arith.constant 0 : i32
          %dma_start3A_73 = tpu.memref_slice %arg7[%mul3A_44, %dma_start3A_72] : memref<40x128xi32, #tpu.memory_space<vmem>> -> memref<1x128xi32, #tpu.memory_space<vmem>>
          %dma_start3A_74 = tpu.memref_squeeze %dma_start3A_73 : memref<1x128xi32, #tpu.memory_space<vmem>> -> memref<128xi32, #tpu.memory_space<vmem>>
          %dma_start3A_75 = arith.constant 0 : i32
          %dma_start3A_76 = arith.constant 0 : i32
          %dma_start3A_77 = tpu.memref_slice %arg10[%dma_start3A_75, %dma_start3A_76] : memref<10240x48xf32, #tpu.memory_space<vmem_shared>> -> memref<10240x48xf32, #tpu.memory_space<vmem_shared>>
          tpu.enqueue_indirect_dma source(%arg8 : memref<128x48xf32, #tpu.memory_space<vmem>>) target(%dma_start3A_77 : memref<10240x48xf32, #tpu.memory_space<vmem_shared>>) offsets(%dma_start3A_74 : memref<128xi32, #tpu.memory_space<vmem>>) semaphore(%run_scoped3A : memref<!tpu.dma_semaphore, #tpu.memory_space<semaphore_mem>>) {add = true}
          %dma_wait3A_78 = arith.constant 0 : i32
          %dma_wait3A_79 = tpu.memref_slice %arg7[%mul3A_44, %dma_wait3A_78] : memref<40x128xi32, #tpu.memory_space<vmem>> -> memref<1x128xi32, #tpu.memory_space<vmem>>
          %dma_wait3A_80 = tpu.memref_squeeze %dma_wait3A_79 : memref<1x128xi32, #tpu.memory_space<vmem>> -> memref<128xi32, #tpu.memory_space<vmem>>
          %dma_wait3A_81 = arith.constant 0 : i32
          %dma_wait3A_82 = arith.constant 0 : i32
          %dma_wait3A_83 = tpu.memref_slice %arg10[%dma_wait3A_81, %dma_wait3A_82] : memref<10240x48xf32, #tpu.memory_space<vmem_shared>> -> memref<10240x48xf32, #tpu.memory_space<vmem_shared>>
          tpu.wait_indirect_dma semaphore(%run_scoped3A : memref<!tpu.dma_semaphore, #tpu.memory_space<semaphore_mem>>) src(%arg8 : memref<128x48xf32, #tpu.memory_space<vmem>>) dst(%dma_wait3A_83 : memref<10240x48xf32, #tpu.memory_space<vmem_shared>>)
          tpu.yield
        }) : () -> ()
        %add3A_58 = arith.constant 1 : i32
        %add3A_59 = arith.addi %scan3A_42, %add3A_58 : i32
        %lt3A = arith.constant 20 : i32
        %lt3A_60 = arith.cmpi slt, %add3A_59, %lt3A : i32
        %convert_element_type3A = arith.extui %lt3A_60 : i1 to i32
        %cond3A = arith.constant 0 : i32
        %cond3A_61 = arith.cmpi ne, %convert_element_type3A, %cond3A : i32
        scf.if %cond3A_61 {
          %add3A_72 = arith.constant 2 : i32
          %add3A_73 = arith.addi %mul3A_44, %add3A_72 : i32
          %mul3A_74 = arith.constant 128 : i32
          %mul3A_75 = arith.muli %add3A_73, %mul3A_74 : i32
          %dma_start3A_76 = tpu.memref_slice %arg6[%mul3A_75] : memref<5120xi32, #tpu.memory_space<vmem>> -> memref<128xi32, #tpu.memory_space<vmem>>
          %dma_start3A_77 = arith.constant 0 : i32
          %dma_start3A_78 = arith.constant 0 : i32
          %dma_start3A_79 = tpu.memref_slice %arg2[%dma_start3A_77, %dma_start3A_78] : memref<10000x48xf32, #tpu.memory_space<hbm>> -> memref<10000x48xf32, #tpu.memory_space<hbm>>
          tpu.enqueue_indirect_dma source(%dma_start3A_79 : memref<10000x48xf32, #tpu.memory_space<hbm>>) target(%arg8 : memref<128x48xf32, #tpu.memory_space<vmem>>) offsets(%dma_start3A_76 : memref<128xi32, #tpu.memory_space<vmem>>) semaphore(%arg11 : memref<!tpu.dma_semaphore, #tpu.memory_space<semaphore_mem>>)
        } else {
        }
        %add3A_62 = arith.constant 1 : i32
        %add3A_63 = arith.addi %mul3A_44, %add3A_62 : i32
        %mul3A_64 = arith.constant 128 : i32
        %mul3A_65 = arith.muli %add3A_63, %mul3A_64 : i32
        %dma_wait3A_66 = tpu.memref_slice %arg6[%mul3A_65] : memref<5120xi32, #tpu.memory_space<vmem>> -> memref<128xi32, #tpu.memory_space<vmem>>
        %dma_wait3A_67 = arith.constant 0 : i32
        %dma_wait3A_68 = arith.constant 0 : i32
        %dma_wait3A_69 = tpu.memref_slice %arg2[%dma_wait3A_67, %dma_wait3A_68] : memref<10000x48xf32, #tpu.memory_space<hbm>> -> memref<10000x48xf32, #tpu.memory_space<hbm>>
        tpu.wait_indirect_dma semaphore(%arg12 : memref<!tpu.dma_semaphore, #tpu.memory_space<semaphore_mem>>) src(%dma_wait3A_69 : memref<10000x48xf32, #tpu.memory_space<hbm>>) dst(%arg9 : memref<128x48xf32, #tpu.memory_space<vmem>>)
        %add3A_70 = arith.constant 1 : i32
        %add3A_71 = arith.addi %mul3A_44, %add3A_70 : i32
        "tpu.region"() ({
          %run_scoped3A = tpu.sem_alloc : memref<!tpu.dma_semaphore, #tpu.memory_space<semaphore_mem>>
          %dma_start3A_72 = arith.constant 0 : i32
          %dma_start3A_73 = tpu.memref_slice %arg7[%add3A_71, %dma_start3A_72] : memref<40x128xi32, #tpu.memory_space<vmem>> -> memref<1x128xi32, #tpu.memory_space<vmem>>
          %dma_start3A_74 = tpu.memref_squeeze %dma_start3A_73 : memref<1x128xi32, #tpu.memory_space<vmem>> -> memref<128xi32, #tpu.memory_space<vmem>>
          %dma_start3A_75 = arith.constant 0 : i32
          %dma_start3A_76 = arith.constant 0 : i32
          %dma_start3A_77 = tpu.memref_slice %arg10[%dma_start3A_75, %dma_start3A_76] : memref<10240x48xf32, #tpu.memory_space<vmem_shared>> -> memref<10240x48xf32, #tpu.memory_space<vmem_shared>>
          tpu.enqueue_indirect_dma source(%arg9 : memref<128x48xf32, #tpu.memory_space<vmem>>) target(%dma_start3A_77 : memref<10240x48xf32, #tpu.memory_space<vmem_shared>>) offsets(%dma_start3A_74 : memref<128xi32, #tpu.memory_space<vmem>>) semaphore(%run_scoped3A : memref<!tpu.dma_semaphore, #tpu.memory_space<semaphore_mem>>) {add = true}
          %dma_wait3A_78 = arith.constant 0 : i32
          %dma_wait3A_79 = tpu.memref_slice %arg7[%add3A_71, %dma_wait3A_78] : memref<40x128xi32, #tpu.memory_space<vmem>> -> memref<1x128xi32, #tpu.memory_space<vmem>>
          %dma_wait3A_80 = tpu.memref_squeeze %dma_wait3A_79 : memref<1x128xi32, #tpu.memory_space<vmem>> -> memref<128xi32, #tpu.memory_space<vmem>>
          %dma_wait3A_81 = arith.constant 0 : i32
          %dma_wait3A_82 = arith.constant 0 : i32
          %dma_wait3A_83 = tpu.memref_slice %arg10[%dma_wait3A_81, %dma_wait3A_82] : memref<10240x48xf32, #tpu.memory_space<vmem_shared>> -> memref<10240x48xf32, #tpu.memory_space<vmem_shared>>
          tpu.wait_indirect_dma semaphore(%run_scoped3A : memref<!tpu.dma_semaphore, #tpu.memory_space<semaphore_mem>>) src(%arg9 : memref<128x48xf32, #tpu.memory_space<vmem>>) dst(%dma_wait3A_83 : memref<10240x48xf32, #tpu.memory_space<vmem_shared>>)
          tpu.yield
        }) : () -> ()
      }
      %scan3A_41 = arith.constant 20 : i32
    }
    %scan3A_18 = arith.constant 2 : i32
    %barrier3A_19 = arith.constant 0 : index
    tpu.barrier barrier_id(%barrier3A_19)
    %mul3A_20 = arith.constant 640 : i32
    %mul3A_21 = arith.muli %arg1, %mul3A_20 : i32
    %mul3A_22 = arith.constant 640 : i32
    %mul3A_23 = arith.muli %arg1, %mul3A_22 : i32
    "tpu.region"() ({
      %run_scoped3A = tpu.sem_alloc : memref<!tpu.dma_semaphore, #tpu.memory_space<semaphore_mem>>
      %dma_start3A = arith.constant 0 : i32
      %dma_start3A_24 = tpu.memref_slice %arg5[%arg0, %mul3A_23, %dma_start3A] : memref<2x10240x48xf32, #tpu.memory_space<hbm>> -> memref<1x640x48xf32, #tpu.memory_space<hbm>>
      %dma_start3A_25 = tpu.memref_squeeze %dma_start3A_24 : memref<1x640x48xf32, #tpu.memory_space<hbm>> -> memref<640x48xf32, #tpu.memory_space<hbm>>
      %dma_start3A_26 = arith.constant 0 : i32
      %dma_start3A_27 = tpu.memref_slice %arg10[%mul3A_21, %dma_start3A_26] : memref<10240x48xf32, #tpu.memory_space<vmem_shared>> -> memref<640x48xf32, #tpu.memory_space<vmem_shared>>
      tpu.enqueue_dma source(%dma_start3A_27 : memref<640x48xf32, #tpu.memory_space<vmem_shared>>) target(%dma_start3A_25 : memref<640x48xf32, #tpu.memory_space<hbm>>) target_semaphore(%run_scoped3A : memref<!tpu.dma_semaphore, #tpu.memory_space<semaphore_mem>>)
      %dma_wait3A = arith.constant 0 : i32
      %dma_wait3A_28 = tpu.memref_slice %arg5[%arg0, %mul3A_23, %dma_wait3A] : memref<2x10240x48xf32, #tpu.memory_space<hbm>> -> memref<1x640x48xf32, #tpu.memory_space<hbm>>
      %dma_wait3A_29 = tpu.memref_squeeze %dma_wait3A_28 : memref<1x640x48xf32, #tpu.memory_space<hbm>> -> memref<640x48xf32, #tpu.memory_space<hbm>>
      %dma_wait3A_30 = arith.constant 0 : i32
      %dma_wait3A_31 = tpu.memref_slice %arg10[%mul3A_21, %dma_wait3A_30] : memref<10240x48xf32, #tpu.memory_space<vmem_shared>> -> memref<640x48xf32, #tpu.memory_space<vmem_shared>>
      tpu.wait_dma2 semaphore(%run_scoped3A : memref<!tpu.dma_semaphore, #tpu.memory_space<semaphore_mem>>) src(%dma_wait3A_31 : memref<640x48xf32, #tpu.memory_space<vmem_shared>>) dst(%dma_wait3A_29 : memref<640x48xf32, #tpu.memory_space<hbm>>)
      tpu.yield
    }) : () -> ()
    return
  }
}

#map = affine_map<(d0, d1) -> (0, 0)>
#map1 = affine_map<(d0, d1) -> (0)>
#map2 = affine_map<(d0, d1) -> (0, 0, 0)>
module attributes {stable_mosaic.version = 14 : i64} {
  func.func @agg(%arg0: i32, %arg1: i32, %arg2: memref<10000x128xf32, #tpu.memory_space<hbm>>, %arg3: memref<327680xi32, #tpu.memory_space<hbm>>, %arg4: memref<2560x128xi32, #tpu.memory_space<hbm>>, %arg5: memref<2x10240x128xf32, #tpu.memory_space<hbm>>, %arg6: memref<5120xi32, #tpu.memory_space<vmem>>, %arg7: memref<40x128xi32, #tpu.memory_space<vmem>>, %arg8: memref<128x128xf32, #tpu.memory_space<vmem>>, %arg9: memref<128x128xf32, #tpu.memory_space<vmem>>, %arg10: memref<10240x128xf32, #tpu.memory_space<vmem_shared>>, %arg11: memref<!tpu.dma_semaphore, #tpu.memory_space<semaphore_mem>>, %arg12: memref<!tpu.dma_semaphore, #tpu.memory_space<semaphore_mem>>) attributes {dimension_semantics = [#tpu.dimension_semantics<core_parallel>, #tpu.dimension_semantics<subcore_parallel>], iteration_bounds = array<i64: 2, 16>, scalar_prefetch = 0 : i64, scratch_operands = 7 : i64, tpu.core_type = #tpu.core_type<sc_vector_subcore>, window_params = [{transform_indices = #map}, {transform_indices = #map1}, {transform_indices = #map}, {transform_indices = #map2}]} {
    %mul3A = arith.constant 16 : i32
    %mul3A_0 = arith.muli %arg0, %mul3A : i32
    %add3A = arith.addi %mul3A_0, %arg1 : i32
    %broadcast_in_dim3A = arith.constant 0.000000e+00 : f32
    %broadcast_in_dim3A_1 = vector.broadcast %broadcast_in_dim3A : f32 to vector<16xf32>
    %scan3A = arith.constant 0 : i32
    %scan3A_2 = arith.constant 0 : i32
    %scan3A_3 = arith.constant 128 : i32
    %scan3A_4 = arith.addi %scan3A_2, %scan3A_3 : i32
    %scan3A_5 = arith.constant 1 : i32
    scf.for %scan3A_24 = %scan3A_2 to %scan3A_4 step %scan3A_5  : i32 {
      %scan3A_25 = arith.constant 0 : i32
      %scan3A_26 = arith.constant 8 : i32
      %scan3A_27 = arith.addi %scan3A_25, %scan3A_26 : i32
      %scan3A_28 = arith.constant 1 : i32
      scf.for %scan3A_30 = %scan3A_25 to %scan3A_27 step %scan3A_28  : i32 {
        %mul3A_31 = arith.constant 16 : i32
        %mul3A_32 = arith.muli %scan3A_30, %mul3A_31 : i32
        %swap3A = arith.index_cast %scan3A_24 : i32 to index
        %swap3A_33 = arith.index_cast %mul3A_32 : i32 to index
        %swap3A_34 = tpu.vector_load %arg8[%swap3A, %swap3A_33] {strides = array<i32>} : memref<128x128xf32, #tpu.memory_space<vmem>>, vector<1x16xf32>,
        %swap3A_35 = vector.shape_cast %swap3A_34 : vector<1x16xf32> to vector<16xf32>
        %swap3A_36 = vector.shape_cast %broadcast_in_dim3A_1 : vector<16xf32> to vector<1x16xf32>
        tpu.vector_store %arg8[%swap3A, %swap3A_33], %swap3A_36 {strides = array<i32>} : memref<128x128xf32, #tpu.memory_space<vmem>>, vector<1x16xf32>,
      }
      %scan3A_29 = arith.constant 8 : i32
    }
    %scan3A_6 = arith.constant 128 : i32
    %scan3A_7 = arith.constant 0 : i32
    %scan3A_8 = arith.constant 0 : i32
    %scan3A_9 = arith.constant 5 : i32
    %scan3A_10 = arith.addi %scan3A_8, %scan3A_9 : i32
    %scan3A_11 = arith.constant 1 : i32
    scf.for %scan3A_24 = %scan3A_8 to %scan3A_10 step %scan3A_11  : i32 {
      %mul3A_25 = arith.constant 640 : i32
      %mul3A_26 = arith.muli %arg1, %mul3A_25 : i32
      %mul3A_27 = arith.constant 128 : i32
      %mul3A_28 = arith.muli %scan3A_24, %mul3A_27 : i32
      %add3A_29 = arith.addi %mul3A_26, %mul3A_28 : i32
      "tpu.region"() ({
        %run_scoped3A = tpu.sem_alloc : memref<!tpu.dma_semaphore, #tpu.memory_space<semaphore_mem>>
        %dma_start3A = arith.constant 0 : i32
        %dma_start3A_30 = arith.constant 0 : i32
        %dma_start3A_31 = tpu.memref_slice %arg8[%dma_start3A, %dma_start3A_30] : memref<128x128xf32, #tpu.memory_space<vmem>> -> memref<128x128xf32, #tpu.memory_space<vmem>>
        %dma_start3A_32 = arith.constant 0 : i32
        %dma_start3A_33 = tpu.memref_slice %arg10[%add3A_29, %dma_start3A_32] : memref<10240x128xf32, #tpu.memory_space<vmem_shared>> -> memref<128x128xf32, #tpu.memory_space<vmem_shared>>
        %dma_start3A_34 = arith.constant 0 : i32
        %dma_start3A_35 = tpu.memref_slice %arg10[%add3A_29, %dma_start3A_34] : memref<10240x128xf32, #tpu.memory_space<vmem_shared>> -> memref<128x128xf32, #tpu.memory_space<vmem_shared>>
        %dma_start3A_36 = arith.constant 0 : i32
        %dma_start3A_37 = arith.constant 0 : i32
        %dma_start3A_38 = tpu.memref_slice %arg8[%dma_start3A_36, %dma_start3A_37] : memref<128x128xf32, #tpu.memory_space<vmem>> -> memref<128x128xf32, #tpu.memory_space<vmem>>
        tpu.enqueue_dma source(%dma_start3A_38 : memref<128x128xf32, #tpu.memory_space<vmem>>) target(%dma_start3A_35 : memref<128x128xf32, #tpu.memory_space<vmem_shared>>) target_semaphore(%run_scoped3A : memref<!tpu.dma_semaphore, #tpu.memory_space<semaphore_mem>>)
        %dma_wait3A = arith.constant 0 : i32
        %dma_wait3A_39 = arith.constant 0 : i32
        %dma_wait3A_40 = tpu.memref_slice %arg8[%dma_wait3A, %dma_wait3A_39] : memref<128x128xf32, #tpu.memory_space<vmem>> -> memref<128x128xf32, #tpu.memory_space<vmem>>
        %dma_wait3A_41 = arith.constant 0 : i32
        %dma_wait3A_42 = tpu.memref_slice %arg10[%add3A_29, %dma_wait3A_41] : memref<10240x128xf32, #tpu.memory_space<vmem_shared>> -> memref<128x128xf32, #tpu.memory_space<vmem_shared>>
        %dma_wait3A_43 = arith.constant 0 : i32
        %dma_wait3A_44 = tpu.memref_slice %arg10[%add3A_29, %dma_wait3A_43] : memref<10240x128xf32, #tpu.memory_space<vmem_shared>> -> memref<128x128xf32, #tpu.memory_space<vmem_shared>>
        %dma_wait3A_45 = arith.constant 0 : i32
        %dma_wait3A_46 = arith.constant 0 : i32
        %dma_wait3A_47 = tpu.memref_slice %arg8[%dma_wait3A_45, %dma_wait3A_46] : memref<128x128xf32, #tpu.memory_space<vmem>> -> memref<128x128xf32, #tpu.memory_space<vmem>>
        tpu.wait_dma2 semaphore(%run_scoped3A : memref<!tpu.dma_semaphore, #tpu.memory_space<semaphore_mem>>) src(%dma_wait3A_47 : memref<128x128xf32, #tpu.memory_space<vmem>>) dst(%dma_wait3A_44 : memref<128x128xf32, #tpu.memory_space<vmem_shared>>)
        tpu.yield
      }) : () -> ()
    }
    %scan3A_12 = arith.constant 5 : i32
    %barrier3A = arith.constant 0 : index
    tpu.barrier barrier_id(%barrier3A)
    %scan3A_13 = arith.constant 0 : i32
    %scan3A_14 = arith.constant 0 : i32
    %scan3A_15 = arith.constant 2 : i32
    %scan3A_16 = arith.addi %scan3A_14, %scan3A_15 : i32
    %scan3A_17 = arith.constant 1 : i32
    scf.for %scan3A_24 = %scan3A_14 to %scan3A_16 step %scan3A_17  : i32 {
      %mul3A_25 = arith.constant 80 : i32
      %mul3A_26 = arith.muli %add3A, %mul3A_25 : i32
      %mul3A_27 = arith.constant 40 : i32
      %mul3A_28 = arith.muli %scan3A_24, %mul3A_27 : i32
      %add3A_29 = arith.addi %mul3A_26, %mul3A_28 : i32
      %mul3A_30 = arith.constant 128 : i32
      %mul3A_31 = arith.muli %add3A_29, %mul3A_30 : i32
      "tpu.region"() ({
        %run_scoped3A = tpu.sem_alloc : memref<!tpu.dma_semaphore, #tpu.memory_space<semaphore_mem>>
        %dma_start3A_42 = tpu.memref_slice %arg3[%mul3A_31] : memref<327680xi32, #tpu.memory_space<hbm>> -> memref<5120xi32, #tpu.memory_space<hbm>>
        %dma_start3A_43 = tpu.memref_slice %arg3[%mul3A_31] : memref<327680xi32, #tpu.memory_space<hbm>> -> memref<5120xi32, #tpu.memory_space<hbm>>
        tpu.enqueue_dma source(%dma_start3A_43 : memref<5120xi32, #tpu.memory_space<hbm>>) target(%arg6 : memref<5120xi32, #tpu.memory_space<vmem>>) target_semaphore(%run_scoped3A : memref<!tpu.dma_semaphore, #tpu.memory_space<semaphore_mem>>)
        %dma_wait3A = tpu.memref_slice %arg3[%mul3A_31] : memref<327680xi32, #tpu.memory_space<hbm>> -> memref<5120xi32, #tpu.memory_space<hbm>>
        %dma_wait3A_44 = tpu.memref_slice %arg3[%mul3A_31] : memref<327680xi32, #tpu.memory_space<hbm>> -> memref<5120xi32, #tpu.memory_space<hbm>>
        tpu.wait_dma2 semaphore(%run_scoped3A : memref<!tpu.dma_semaphore, #tpu.memory_space<semaphore_mem>>) src(%dma_wait3A_44 : memref<5120xi32, #tpu.memory_space<hbm>>) dst(%arg6 : memref<5120xi32, #tpu.memory_space<vmem>>)
        tpu.yield
      }) : () -> ()
      "tpu.region"() ({
        %run_scoped3A = tpu.sem_alloc : memref<!tpu.dma_semaphore, #tpu.memory_space<semaphore_mem>>
        %dma_start3A_42 = arith.constant 0 : i32
        %dma_start3A_43 = tpu.memref_slice %arg4[%add3A_29, %dma_start3A_42] : memref<2560x128xi32, #tpu.memory_space<hbm>> -> memref<40x128xi32, #tpu.memory_space<hbm>>
        %dma_start3A_44 = arith.constant 0 : i32
        %dma_start3A_45 = tpu.memref_slice %arg4[%add3A_29, %dma_start3A_44] : memref<2560x128xi32, #tpu.memory_space<hbm>> -> memref<40x128xi32, #tpu.memory_space<hbm>>
        tpu.enqueue_dma source(%dma_start3A_45 : memref<40x128xi32, #tpu.memory_space<hbm>>) target(%arg7 : memref<40x128xi32, #tpu.memory_space<vmem>>) target_semaphore(%run_scoped3A : memref<!tpu.dma_semaphore, #tpu.memory_space<semaphore_mem>>)
        %dma_wait3A = arith.constant 0 : i32
        %dma_wait3A_46 = tpu.memref_slice %arg4[%add3A_29, %dma_wait3A] : memref<2560x128xi32, #tpu.memory_space<hbm>> -> memref<40x128xi32, #tpu.memory_space<hbm>>
        %dma_wait3A_47 = arith.constant 0 : i32
        %dma_wait3A_48 = tpu.memref_slice %arg4[%add3A_29, %dma_wait3A_47] : memref<2560x128xi32, #tpu.memory_space<hbm>> -> memref<40x128xi32, #tpu.memory_space<hbm>>
        tpu.wait_dma2 semaphore(%run_scoped3A : memref<!tpu.dma_semaphore, #tpu.memory_space<semaphore_mem>>) src(%dma_wait3A_48 : memref<40x128xi32, #tpu.memory_space<hbm>>) dst(%arg7 : memref<40x128xi32, #tpu.memory_space<vmem>>)
        tpu.yield
      }) : () -> ()
      %dma_start3A = arith.constant 0 : i32
      %dma_start3A_32 = tpu.memref_slice %arg6[%dma_start3A] : memref<5120xi32, #tpu.memory_space<vmem>> -> memref<128xi32, #tpu.memory_space<vmem>>
      %dma_start3A_33 = arith.constant 0 : i32
      %dma_start3A_34 = arith.constant 0 : i32
      %dma_start3A_35 = tpu.memref_slice %arg2[%dma_start3A_33, %dma_start3A_34] : memref<10000x128xf32, #tpu.memory_space<hbm>> -> memref<10000x128xf32, #tpu.memory_space<hbm>>
      tpu.enqueue_indirect_dma source(%dma_start3A_35 : memref<10000x128xf32, #tpu.memory_space<hbm>>) target(%arg8 : memref<128x128xf32, #tpu.memory_space<vmem>>) offsets(%dma_start3A_32 : memref<128xi32, #tpu.memory_space<vmem>>) semaphore(%arg11 : memref<!tpu.dma_semaphore, #tpu.memory_space<semaphore_mem>>)
      %scan3A_36 = arith.constant 0 : i32
      %scan3A_37 = arith.constant 0 : i32
      %scan3A_38 = arith.constant 20 : i32
      %scan3A_39 = arith.addi %scan3A_37, %scan3A_38 : i32
      %scan3A_40 = arith.constant 1 : i32
      scf.for %scan3A_42 = %scan3A_37 to %scan3A_39 step %scan3A_40  : i32 {
        %mul3A_43 = arith.constant 2 : i32
        %mul3A_44 = arith.muli %mul3A_43, %scan3A_42 : i32
        %add3A_45 = arith.constant 1 : i32
        %add3A_46 = arith.addi %mul3A_44, %add3A_45 : i32
        %mul3A_47 = arith.constant 128 : i32
        %mul3A_48 = arith.muli %add3A_46, %mul3A_47 : i32
        %dma_start3A_49 = tpu.memref_slice %arg6[%mul3A_48] : memref<5120xi32, #tpu.memory_space<vmem>> -> memref<128xi32, #tpu.memory_space<vmem>>
        %dma_start3A_50 = arith.constant 0 : i32
        %dma_start3A_51 = arith.constant 0 : i32
        %dma_start3A_52 = tpu.memref_slice %arg2[%dma_start3A_50, %dma_start3A_51] : memref<10000x128xf32, #tpu.memory_space<hbm>> -> memref<10000x128xf32, #tpu.memory_space<hbm>>
        tpu.enqueue_indirect_dma source(%dma_start3A_52 : memref<10000x128xf32, #tpu.memory_space<hbm>>) target(%arg9 : memref<128x128xf32, #tpu.memory_space<vmem>>) offsets(%dma_start3A_49 : memref<128xi32, #tpu.memory_space<vmem>>) semaphore(%arg12 : memref<!tpu.dma_semaphore, #tpu.memory_space<semaphore_mem>>)
        %mul3A_53 = arith.constant 128 : i32
        %mul3A_54 = arith.muli %mul3A_44, %mul3A_53 : i32
        %dma_wait3A = tpu.memref_slice %arg6[%mul3A_54] : memref<5120xi32, #tpu.memory_space<vmem>> -> memref<128xi32, #tpu.memory_space<vmem>>
        %dma_wait3A_55 = arith.constant 0 : i32
        %dma_wait3A_56 = arith.constant 0 : i32
        %dma_wait3A_57 = tpu.memref_slice %arg2[%dma_wait3A_55, %dma_wait3A_56] : memref<10000x128xf32, #tpu.memory_space<hbm>> -> memref<10000x128xf32, #tpu.memory_space<hbm>>
        tpu.wait_indirect_dma semaphore(%arg11 : memref<!tpu.dma_semaphore, #tpu.memory_space<semaphore_mem>>) src(%dma_wait3A_57 : memref<10000x128xf32, #tpu.memory_space<hbm>>) dst(%arg8 : memref<128x128xf32, #tpu.memory_space<vmem>>)
        "tpu.region"() ({
          %run_scoped3A = tpu.sem_alloc : memref<!tpu.dma_semaphore, #tpu.memory_space<semaphore_mem>>
          %dma_start3A_72 = arith.constant 0 : i32
          %dma_start3A_73 = tpu.memref_slice %arg7[%mul3A_44, %dma_start3A_72] : memref<40x128xi32, #tpu.memory_space<vmem>> -> memref<1x128xi32, #tpu.memory_space<vmem>>
          %dma_start3A_74 = tpu.memref_squeeze %dma_start3A_73 : memref<1x128xi32, #tpu.memory_space<vmem>> -> memref<128xi32, #tpu.memory_space<vmem>>
          %dma_start3A_75 = arith.constant 0 : i32
          %dma_start3A_76 = arith.constant 0 : i32
          %dma_start3A_77 = tpu.memref_slice %arg10[%dma_start3A_75, %dma_start3A_76] : memref<10240x128xf32, #tpu.memory_space<vmem_shared>> -> memref<10240x128xf32, #tpu.memory_space<vmem_shared>>
          tpu.enqueue_indirect_dma source(%arg8 : memref<128x128xf32, #tpu.memory_space<vmem>>) target(%dma_start3A_77 : memref<10240x128xf32, #tpu.memory_space<vmem_shared>>) offsets(%dma_start3A_74 : memref<128xi32, #tpu.memory_space<vmem>>) semaphore(%run_scoped3A : memref<!tpu.dma_semaphore, #tpu.memory_space<semaphore_mem>>) {add = true}
          %dma_wait3A_78 = arith.constant 0 : i32
          %dma_wait3A_79 = tpu.memref_slice %arg7[%mul3A_44, %dma_wait3A_78] : memref<40x128xi32, #tpu.memory_space<vmem>> -> memref<1x128xi32, #tpu.memory_space<vmem>>
          %dma_wait3A_80 = tpu.memref_squeeze %dma_wait3A_79 : memref<1x128xi32, #tpu.memory_space<vmem>> -> memref<128xi32, #tpu.memory_space<vmem>>
          %dma_wait3A_81 = arith.constant 0 : i32
          %dma_wait3A_82 = arith.constant 0 : i32
          %dma_wait3A_83 = tpu.memref_slice %arg10[%dma_wait3A_81, %dma_wait3A_82] : memref<10240x128xf32, #tpu.memory_space<vmem_shared>> -> memref<10240x128xf32, #tpu.memory_space<vmem_shared>>
          tpu.wait_indirect_dma semaphore(%run_scoped3A : memref<!tpu.dma_semaphore, #tpu.memory_space<semaphore_mem>>) src(%arg8 : memref<128x128xf32, #tpu.memory_space<vmem>>) dst(%dma_wait3A_83 : memref<10240x128xf32, #tpu.memory_space<vmem_shared>>)
          tpu.yield
        }) : () -> ()
        %add3A_58 = arith.constant 1 : i32
        %add3A_59 = arith.addi %scan3A_42, %add3A_58 : i32
        %lt3A = arith.constant 20 : i32
        %lt3A_60 = arith.cmpi slt, %add3A_59, %lt3A : i32
        %convert_element_type3A = arith.extui %lt3A_60 : i1 to i32
        %cond3A = arith.constant 0 : i32
        %cond3A_61 = arith.cmpi ne, %convert_element_type3A, %cond3A : i32
        scf.if %cond3A_61 {
          %add3A_72 = arith.constant 2 : i32
          %add3A_73 = arith.addi %mul3A_44, %add3A_72 : i32
          %mul3A_74 = arith.constant 128 : i32
          %mul3A_75 = arith.muli %add3A_73, %mul3A_74 : i32
          %dma_start3A_76 = tpu.memref_slice %arg6[%mul3A_75] : memref<5120xi32, #tpu.memory_space<vmem>> -> memref<128xi32, #tpu.memory_space<vmem>>
          %dma_start3A_77 = arith.constant 0 : i32
          %dma_start3A_78 = arith.constant 0 : i32
          %dma_start3A_79 = tpu.memref_slice %arg2[%dma_start3A_77, %dma_start3A_78] : memref<10000x128xf32, #tpu.memory_space<hbm>> -> memref<10000x128xf32, #tpu.memory_space<hbm>>
          tpu.enqueue_indirect_dma source(%dma_start3A_79 : memref<10000x128xf32, #tpu.memory_space<hbm>>) target(%arg8 : memref<128x128xf32, #tpu.memory_space<vmem>>) offsets(%dma_start3A_76 : memref<128xi32, #tpu.memory_space<vmem>>) semaphore(%arg11 : memref<!tpu.dma_semaphore, #tpu.memory_space<semaphore_mem>>)
        } else {
        }
        %add3A_62 = arith.constant 1 : i32
        %add3A_63 = arith.addi %mul3A_44, %add3A_62 : i32
        %mul3A_64 = arith.constant 128 : i32
        %mul3A_65 = arith.muli %add3A_63, %mul3A_64 : i32
        %dma_wait3A_66 = tpu.memref_slice %arg6[%mul3A_65] : memref<5120xi32, #tpu.memory_space<vmem>> -> memref<128xi32, #tpu.memory_space<vmem>>
        %dma_wait3A_67 = arith.constant 0 : i32
        %dma_wait3A_68 = arith.constant 0 : i32
        %dma_wait3A_69 = tpu.memref_slice %arg2[%dma_wait3A_67, %dma_wait3A_68] : memref<10000x128xf32, #tpu.memory_space<hbm>> -> memref<10000x128xf32, #tpu.memory_space<hbm>>
        tpu.wait_indirect_dma semaphore(%arg12 : memref<!tpu.dma_semaphore, #tpu.memory_space<semaphore_mem>>) src(%dma_wait3A_69 : memref<10000x128xf32, #tpu.memory_space<hbm>>) dst(%arg9 : memref<128x128xf32, #tpu.memory_space<vmem>>)
        %add3A_70 = arith.constant 1 : i32
        %add3A_71 = arith.addi %mul3A_44, %add3A_70 : i32
        "tpu.region"() ({
          %run_scoped3A = tpu.sem_alloc : memref<!tpu.dma_semaphore, #tpu.memory_space<semaphore_mem>>
          %dma_start3A_72 = arith.constant 0 : i32
          %dma_start3A_73 = tpu.memref_slice %arg7[%add3A_71, %dma_start3A_72] : memref<40x128xi32, #tpu.memory_space<vmem>> -> memref<1x128xi32, #tpu.memory_space<vmem>>
          %dma_start3A_74 = tpu.memref_squeeze %dma_start3A_73 : memref<1x128xi32, #tpu.memory_space<vmem>> -> memref<128xi32, #tpu.memory_space<vmem>>
          %dma_start3A_75 = arith.constant 0 : i32
          %dma_start3A_76 = arith.constant 0 : i32
          %dma_start3A_77 = tpu.memref_slice %arg10[%dma_start3A_75, %dma_start3A_76] : memref<10240x128xf32, #tpu.memory_space<vmem_shared>> -> memref<10240x128xf32, #tpu.memory_space<vmem_shared>>
          tpu.enqueue_indirect_dma source(%arg9 : memref<128x128xf32, #tpu.memory_space<vmem>>) target(%dma_start3A_77 : memref<10240x128xf32, #tpu.memory_space<vmem_shared>>) offsets(%dma_start3A_74 : memref<128xi32, #tpu.memory_space<vmem>>) semaphore(%run_scoped3A : memref<!tpu.dma_semaphore, #tpu.memory_space<semaphore_mem>>) {add = true}
          %dma_wait3A_78 = arith.constant 0 : i32
          %dma_wait3A_79 = tpu.memref_slice %arg7[%add3A_71, %dma_wait3A_78] : memref<40x128xi32, #tpu.memory_space<vmem>> -> memref<1x128xi32, #tpu.memory_space<vmem>>
          %dma_wait3A_80 = tpu.memref_squeeze %dma_wait3A_79 : memref<1x128xi32, #tpu.memory_space<vmem>> -> memref<128xi32, #tpu.memory_space<vmem>>
          %dma_wait3A_81 = arith.constant 0 : i32
          %dma_wait3A_82 = arith.constant 0 : i32
          %dma_wait3A_83 = tpu.memref_slice %arg10[%dma_wait3A_81, %dma_wait3A_82] : memref<10240x128xf32, #tpu.memory_space<vmem_shared>> -> memref<10240x128xf32, #tpu.memory_space<vmem_shared>>
          tpu.wait_indirect_dma semaphore(%run_scoped3A : memref<!tpu.dma_semaphore, #tpu.memory_space<semaphore_mem>>) src(%arg9 : memref<128x128xf32, #tpu.memory_space<vmem>>) dst(%dma_wait3A_83 : memref<10240x128xf32, #tpu.memory_space<vmem_shared>>)
          tpu.yield
        }) : () -> ()
      }
      %scan3A_41 = arith.constant 20 : i32
    }
    %scan3A_18 = arith.constant 2 : i32
    %barrier3A_19 = arith.constant 0 : index
    tpu.barrier barrier_id(%barrier3A_19)
    %mul3A_20 = arith.constant 640 : i32
    %mul3A_21 = arith.muli %arg1, %mul3A_20 : i32
    %mul3A_22 = arith.constant 640 : i32
    %mul3A_23 = arith.muli %arg1, %mul3A_22 : i32
    "tpu.region"() ({
      %run_scoped3A = tpu.sem_alloc : memref<!tpu.dma_semaphore, #tpu.memory_space<semaphore_mem>>
      %dma_start3A = arith.constant 0 : i32
      %dma_start3A_24 = tpu.memref_slice %arg5[%arg0, %mul3A_23, %dma_start3A] : memref<2x10240x128xf32, #tpu.memory_space<hbm>> -> memref<1x640x128xf32, #tpu.memory_space<hbm>>
      %dma_start3A_25 = tpu.memref_squeeze %dma_start3A_24 : memref<1x640x128xf32, #tpu.memory_space<hbm>> -> memref<640x128xf32, #tpu.memory_space<hbm>>
      %dma_start3A_26 = arith.constant 0 : i32
      %dma_start3A_27 = tpu.memref_slice %arg10[%mul3A_21, %dma_start3A_26] : memref<10240x128xf32, #tpu.memory_space<vmem_shared>> -> memref<640x128xf32, #tpu.memory_space<vmem_shared>>
      tpu.enqueue_dma source(%dma_start3A_27 : memref<640x128xf32, #tpu.memory_space<vmem_shared>>) target(%dma_start3A_25 : memref<640x128xf32, #tpu.memory_space<hbm>>) target_semaphore(%run_scoped3A : memref<!tpu.dma_semaphore, #tpu.memory_space<semaphore_mem>>)
      %dma_wait3A = arith.constant 0 : i32
      %dma_wait3A_28 = tpu.memref_slice %arg5[%arg0, %mul3A_23, %dma_wait3A] : memref<2x10240x128xf32, #tpu.memory_space<hbm>> -> memref<1x640x128xf32, #tpu.memory_space<hbm>>
      %dma_wait3A_29 = tpu.memref_squeeze %dma_wait3A_28 : memref<1x640x128xf32, #tpu.memory_space<hbm>> -> memref<640x128xf32, #tpu.memory_space<hbm>>
      %dma_wait3A_30 = arith.constant 0 : i32
      %dma_wait3A_31 = tpu.memref_slice %arg10[%mul3A_21, %dma_wait3A_30] : memref<10240x128xf32, #tpu.memory_space<vmem_shared>> -> memref<640x128xf32, #tpu.memory_space<vmem_shared>>
      tpu.wait_dma2 semaphore(%run_scoped3A : memref<!tpu.dma_semaphore, #tpu.memory_space<semaphore_mem>>) src(%dma_wait3A_31 : memref<640x128xf32, #tpu.memory_space<vmem_shared>>) dst(%dma_wait3A_29 : memref<640x128xf32, #tpu.memory_space<hbm>>)
      tpu.yield
    }) : () -> ()
    return
  }
}

#map = affine_map<(d0, d1) -> (0, 0)>
#map1 = affine_map<(d0, d1) -> (0, 0, 0)>
module attributes {stable_mosaic.version = 14 : i64} {
  func.func @deg(%arg0: i32, %arg1: i32, %arg2: memref<2560x128xi32, #tpu.memory_space<hbm>>, %arg3: memref<2x10240x16xf32, #tpu.memory_space<hbm>>, %arg4: memref<80x128xi32, #tpu.memory_space<vmem>>, %arg5: memref<128x16xf32, #tpu.memory_space<vmem>>, %arg6: memref<128x16xf32, #tpu.memory_space<vmem>>, %arg7: memref<10240x16xf32, #tpu.memory_space<vmem_shared>>) attributes {dimension_semantics = [#tpu.dimension_semantics<core_parallel>, #tpu.dimension_semantics<subcore_parallel>], iteration_bounds = array<i64: 2, 16>, scalar_prefetch = 0 : i64, scratch_operands = 4 : i64, tpu.core_type = #tpu.core_type<sc_vector_subcore>, window_params = [{transform_indices = #map}, {transform_indices = #map1}]} {
    %mul3A = arith.constant 2 : i32
    %mul3A_0 = arith.muli %arg1, %mul3A : i32
    %add3A = arith.addi %mul3A_0, %arg0 : i32
    %iota3A = tpu.iota {dimensions = array<i32: 0>} : vector<16xi32>
    %eq3A = arith.constant 0 : i32
    %eq3A_1 = vector.broadcast %eq3A : i32 to vector<16xi32>
    %eq3A_2 = arith.cmpi eq, %iota3A, %eq3A_1 : vector<16xi32>
    %jit3A = arith.constant 1.000000e+00 : f32
    %jit3A_3 = arith.constant 0.000000e+00 : f32
    %broadcast_in_dim3A = vector.broadcast %jit3A : f32 to vector<16xf32>
    %broadcast_in_dim3A_4 = vector.broadcast %jit3A_3 : f32 to vector<16xf32>
    %select_n3A = arith.select %eq3A_2, %broadcast_in_dim3A, %broadcast_in_dim3A_4 : vector<16xi1>, vector<16xf32>
    %broadcast_in_dim3A_5 = arith.constant 0.000000e+00 : f32
    %broadcast_in_dim3A_6 = vector.broadcast %broadcast_in_dim3A_5 : f32 to vector<16xf32>
    %scan3A = arith.constant 0 : i32
    %scan3A_7 = arith.constant 0 : i32
    %scan3A_8 = arith.constant 128 : i32
    %scan3A_9 = arith.addi %scan3A_7, %scan3A_8 : i32
    %scan3A_10 = arith.constant 1 : i32
    scf.for %scan3A_31 = %scan3A_7 to %scan3A_9 step %scan3A_10  : i32 {
      %swap3A = arith.index_cast %scan3A_31 : i32 to index
      %swap3A_32 = arith.constant 0 : index
      %swap3A_33 = tpu.vector_load %arg5[%swap3A, %swap3A_32] {strides = array<i32>} : memref<128x16xf32, #tpu.memory_space<vmem>>, vector<1x16xf32>,
      %swap3A_34 = vector.shape_cast %swap3A_33 : vector<1x16xf32> to vector<16xf32>
      %swap3A_35 = vector.shape_cast %select_n3A : vector<16xf32> to vector<1x16xf32>
      tpu.vector_store %arg5[%swap3A, %swap3A_32], %swap3A_35 {strides = array<i32>} : memref<128x16xf32, #tpu.memory_space<vmem>>, vector<1x16xf32>,
      %swap3A_36 = arith.index_cast %scan3A_31 : i32 to index
      %swap3A_37 = arith.constant 0 : index
      %swap3A_38 = tpu.vector_load %arg6[%swap3A_36, %swap3A_37] {strides = array<i32>} : memref<128x16xf32, #tpu.memory_space<vmem>>, vector<1x16xf32>,
      %swap3A_39 = vector.shape_cast %swap3A_38 : vector<1x16xf32> to vector<16xf32>
      %swap3A_40 = vector.shape_cast %broadcast_in_dim3A_6 : vector<16xf32> to vector<1x16xf32>
      tpu.vector_store %arg6[%swap3A_36, %swap3A_37], %swap3A_40 {strides = array<i32>} : memref<128x16xf32, #tpu.memory_space<vmem>>, vector<1x16xf32>,
    }
    %scan3A_11 = arith.constant 128 : i32
    %scan3A_12 = arith.constant 0 : i32
    %scan3A_13 = arith.constant 0 : i32
    %scan3A_14 = arith.constant 5 : i32
    %scan3A_15 = arith.addi %scan3A_13, %scan3A_14 : i32
    %scan3A_16 = arith.constant 1 : i32
    scf.for %scan3A_31 = %scan3A_13 to %scan3A_15 step %scan3A_16  : i32 {
      %mul3A_32 = arith.constant 640 : i32
      %mul3A_33 = arith.muli %arg1, %mul3A_32 : i32
      %mul3A_34 = arith.constant 128 : i32
      %mul3A_35 = arith.muli %scan3A_31, %mul3A_34 : i32
      %add3A_36 = arith.addi %mul3A_33, %mul3A_35 : i32
      "tpu.region"() ({
        %run_scoped3A = tpu.sem_alloc : memref<!tpu.dma_semaphore, #tpu.memory_space<semaphore_mem>>
        %dma_start3A = arith.constant 0 : i32
        %dma_start3A_37 = tpu.memref_slice %arg7[%add3A_36, %dma_start3A] : memref<10240x16xf32, #tpu.memory_space<vmem_shared>> -> memref<128x16xf32, #tpu.memory_space<vmem_shared>>
        %dma_start3A_38 = arith.constant 0 : i32
        %dma_start3A_39 = tpu.memref_slice %arg7[%add3A_36, %dma_start3A_38] : memref<10240x16xf32, #tpu.memory_space<vmem_shared>> -> memref<128x16xf32, #tpu.memory_space<vmem_shared>>
        tpu.enqueue_dma source(%arg6 : memref<128x16xf32, #tpu.memory_space<vmem>>) target(%dma_start3A_39 : memref<128x16xf32, #tpu.memory_space<vmem_shared>>) target_semaphore(%run_scoped3A : memref<!tpu.dma_semaphore, #tpu.memory_space<semaphore_mem>>)
        %dma_wait3A = arith.constant 0 : i32
        %dma_wait3A_40 = tpu.memref_slice %arg7[%add3A_36, %dma_wait3A] : memref<10240x16xf32, #tpu.memory_space<vmem_shared>> -> memref<128x16xf32, #tpu.memory_space<vmem_shared>>
        %dma_wait3A_41 = arith.constant 0 : i32
        %dma_wait3A_42 = tpu.memref_slice %arg7[%add3A_36, %dma_wait3A_41] : memref<10240x16xf32, #tpu.memory_space<vmem_shared>> -> memref<128x16xf32, #tpu.memory_space<vmem_shared>>
        tpu.wait_dma2 semaphore(%run_scoped3A : memref<!tpu.dma_semaphore, #tpu.memory_space<semaphore_mem>>) src(%arg6 : memref<128x16xf32, #tpu.memory_space<vmem>>) dst(%dma_wait3A_42 : memref<128x16xf32, #tpu.memory_space<vmem_shared>>)
        tpu.yield
      }) : () -> ()
    }
    %scan3A_17 = arith.constant 5 : i32
    %mul3A_18 = arith.constant 80 : i32
    %mul3A_19 = arith.muli %add3A, %mul3A_18 : i32
    "tpu.region"() ({
      %run_scoped3A = tpu.sem_alloc : memref<!tpu.dma_semaphore, #tpu.memory_space<semaphore_mem>>
      %dma_start3A = arith.constant 0 : i32
      %dma_start3A_31 = tpu.memref_slice %arg2[%mul3A_19, %dma_start3A] : memref<2560x128xi32, #tpu.memory_space<hbm>> -> memref<80x128xi32, #tpu.memory_space<hbm>>
      %dma_start3A_32 = arith.constant 0 : i32
      %dma_start3A_33 = tpu.memref_slice %arg2[%mul3A_19, %dma_start3A_32] : memref<2560x128xi32, #tpu.memory_space<hbm>> -> memref<80x128xi32, #tpu.memory_space<hbm>>
      tpu.enqueue_dma source(%dma_start3A_33 : memref<80x128xi32, #tpu.memory_space<hbm>>) target(%arg4 : memref<80x128xi32, #tpu.memory_space<vmem>>) target_semaphore(%run_scoped3A : memref<!tpu.dma_semaphore, #tpu.memory_space<semaphore_mem>>)
      %dma_wait3A = arith.constant 0 : i32
      %dma_wait3A_34 = tpu.memref_slice %arg2[%mul3A_19, %dma_wait3A] : memref<2560x128xi32, #tpu.memory_space<hbm>> -> memref<80x128xi32, #tpu.memory_space<hbm>>
      %dma_wait3A_35 = arith.constant 0 : i32
      %dma_wait3A_36 = tpu.memref_slice %arg2[%mul3A_19, %dma_wait3A_35] : memref<2560x128xi32, #tpu.memory_space<hbm>> -> memref<80x128xi32, #tpu.memory_space<hbm>>
      tpu.wait_dma2 semaphore(%run_scoped3A : memref<!tpu.dma_semaphore, #tpu.memory_space<semaphore_mem>>) src(%dma_wait3A_36 : memref<80x128xi32, #tpu.memory_space<hbm>>) dst(%arg4 : memref<80x128xi32, #tpu.memory_space<vmem>>)
      tpu.yield
    }) : () -> ()
    %barrier3A = arith.constant 0 : index
    tpu.barrier barrier_id(%barrier3A)
    %scan3A_20 = arith.constant 0 : i32
    %scan3A_21 = arith.constant 0 : i32
    %scan3A_22 = arith.constant 80 : i32
    %scan3A_23 = arith.addi %scan3A_21, %scan3A_22 : i32
    %scan3A_24 = arith.constant 1 : i32
    scf.for %scan3A_31 = %scan3A_21 to %scan3A_23 step %scan3A_24  : i32 {
      "tpu.region"() ({
        %run_scoped3A = tpu.sem_alloc : memref<!tpu.dma_semaphore, #tpu.memory_space<semaphore_mem>>
        %dma_start3A = arith.constant 0 : i32
        %dma_start3A_32 = tpu.memref_slice %arg4[%scan3A_31, %dma_start3A] : memref<80x128xi32, #tpu.memory_space<vmem>> -> memref<1x128xi32, #tpu.memory_space<vmem>>
        %dma_start3A_33 = tpu.memref_squeeze %dma_start3A_32 : memref<1x128xi32, #tpu.memory_space<vmem>> -> memref<128xi32, #tpu.memory_space<vmem>>
        %dma_start3A_34 = arith.constant 0 : i32
        %dma_start3A_35 = arith.constant 0 : i32
        %dma_start3A_36 = tpu.memref_slice %arg7[%dma_start3A_34, %dma_start3A_35] : memref<10240x16xf32, #tpu.memory_space<vmem_shared>> -> memref<10240x16xf32, #tpu.memory_space<vmem_shared>>
        tpu.enqueue_indirect_dma source(%arg5 : memref<128x16xf32, #tpu.memory_space<vmem>>) target(%dma_start3A_36 : memref<10240x16xf32, #tpu.memory_space<vmem_shared>>) offsets(%dma_start3A_33 : memref<128xi32, #tpu.memory_space<vmem>>) semaphore(%run_scoped3A : memref<!tpu.dma_semaphore, #tpu.memory_space<semaphore_mem>>) {add = true}
        %dma_wait3A = arith.constant 0 : i32
        %dma_wait3A_37 = tpu.memref_slice %arg4[%scan3A_31, %dma_wait3A] : memref<80x128xi32, #tpu.memory_space<vmem>> -> memref<1x128xi32, #tpu.memory_space<vmem>>
        %dma_wait3A_38 = tpu.memref_squeeze %dma_wait3A_37 : memref<1x128xi32, #tpu.memory_space<vmem>> -> memref<128xi32, #tpu.memory_space<vmem>>
        %dma_wait3A_39 = arith.constant 0 : i32
        %dma_wait3A_40 = arith.constant 0 : i32
        %dma_wait3A_41 = tpu.memref_slice %arg7[%dma_wait3A_39, %dma_wait3A_40] : memref<10240x16xf32, #tpu.memory_space<vmem_shared>> -> memref<10240x16xf32, #tpu.memory_space<vmem_shared>>
        tpu.wait_indirect_dma semaphore(%run_scoped3A : memref<!tpu.dma_semaphore, #tpu.memory_space<semaphore_mem>>) src(%arg5 : memref<128x16xf32, #tpu.memory_space<vmem>>) dst(%dma_wait3A_41 : memref<10240x16xf32, #tpu.memory_space<vmem_shared>>)
        tpu.yield
      }) : () -> ()
    }
    %scan3A_25 = arith.constant 80 : i32
    %barrier3A_26 = arith.constant 0 : index
    tpu.barrier barrier_id(%barrier3A_26)
    %mul3A_27 = arith.constant 640 : i32
    %mul3A_28 = arith.muli %arg1, %mul3A_27 : i32
    %mul3A_29 = arith.constant 640 : i32
    %mul3A_30 = arith.muli %arg1, %mul3A_29 : i32
    "tpu.region"() ({
      %run_scoped3A = tpu.sem_alloc : memref<!tpu.dma_semaphore, #tpu.memory_space<semaphore_mem>>
      %dma_start3A = arith.constant 0 : i32
      %dma_start3A_31 = tpu.memref_slice %arg3[%arg0, %mul3A_30, %dma_start3A] : memref<2x10240x16xf32, #tpu.memory_space<hbm>> -> memref<1x640x16xf32, #tpu.memory_space<hbm>>
      %dma_start3A_32 = tpu.memref_squeeze %dma_start3A_31 : memref<1x640x16xf32, #tpu.memory_space<hbm>> -> memref<640x16xf32, #tpu.memory_space<hbm>>
      %dma_start3A_33 = arith.constant 0 : i32
      %dma_start3A_34 = tpu.memref_slice %arg7[%mul3A_28, %dma_start3A_33] : memref<10240x16xf32, #tpu.memory_space<vmem_shared>> -> memref<640x16xf32, #tpu.memory_space<vmem_shared>>
      tpu.enqueue_dma source(%dma_start3A_34 : memref<640x16xf32, #tpu.memory_space<vmem_shared>>) target(%dma_start3A_32 : memref<640x16xf32, #tpu.memory_space<hbm>>) target_semaphore(%run_scoped3A : memref<!tpu.dma_semaphore, #tpu.memory_space<semaphore_mem>>)
      %dma_wait3A = arith.constant 0 : i32
      %dma_wait3A_35 = tpu.memref_slice %arg3[%arg0, %mul3A_30, %dma_wait3A] : memref<2x10240x16xf32, #tpu.memory_space<hbm>> -> memref<1x640x16xf32, #tpu.memory_space<hbm>>
      %dma_wait3A_36 = tpu.memref_squeeze %dma_wait3A_35 : memref<1x640x16xf32, #tpu.memory_space<hbm>> -> memref<640x16xf32, #tpu.memory_space<hbm>>
      %dma_wait3A_37 = arith.constant 0 : i32
      %dma_wait3A_38 = tpu.memref_slice %arg7[%mul3A_28, %dma_wait3A_37] : memref<10240x16xf32, #tpu.memory_space<vmem_shared>> -> memref<640x16xf32, #tpu.memory_space<vmem_shared>>
      tpu.wait_dma2 semaphore(%run_scoped3A : memref<!tpu.dma_semaphore, #tpu.memory_space<semaphore_mem>>) src(%dma_wait3A_38 : memref<640x16xf32, #tpu.memory_space<vmem_shared>>) dst(%dma_wait3A_36 : memref<640x16xf32, #tpu.memory_space<hbm>>)
      tpu.yield
    }) : () -> ()
    return
  }
}

module attributes {stable_mosaic.version = 14 : i64} {
  func.func @body(%arg0: i32, %arg1: memref<2x2000x16xf32, #tpu.memory_space<vmem>>, %arg2: memref<2000x128xf32, #tpu.memory_space<vmem>>, %arg3: memref<2000x128xf32, #tpu.memory_space<vmem>>) attributes {dimension_semantics = [#tpu.dimension_semantics<arbitrary>], iteration_bounds = array<i64: 5>, scalar_prefetch = 0 : i64, scratch_operands = 0 : i64, tpu.core_type = #tpu.core_type<tc>, window_params = [{transform_indices = @transform_0, window_bounds = array<i64: 2, 2000, 16>}, {transform_indices = @transform_1, window_bounds = array<i64: 2000, 128>}, {transform_indices = @transform_2, window_bounds = array<i64: 2000, 128>}]} {
    %get3A = arith.constant 0 : index
    %get3A_0 = arith.constant 0 : index
    %get3A_1 = arith.constant 0 : index
    %get3A_2 = vector.load %arg1[%get3A, %get3A_0, %get3A_1] : memref<2x2000x16xf32, #tpu.memory_space<vmem>>, vector<2x2000x16xf32>
    %slice3A = vector.extract_strided_slice %get3A_2 {offsets = [0, 0, 0], sizes = [1, 2000, 16], strides = [1, 1, 1]} : vector<2x2000x16xf32> to vector<1x2000x16xf32>
    %squeeze3A = vector.shape_cast %slice3A : vector<1x2000x16xf32> to vector<2000x16xf32>
    %slice3A_3 = vector.extract_strided_slice %get3A_2 {offsets = [1, 0, 0], sizes = [1, 2000, 16], strides = [1, 1, 1]} : vector<2x2000x16xf32> to vector<1x2000x16xf32>
    %squeeze3A_4 = vector.shape_cast %slice3A_3 : vector<1x2000x16xf32> to vector<2000x16xf32>
    %add3A = arith.addf %squeeze3A, %squeeze3A_4 : vector<2000x16xf32>
    %reduce_sum3A = arith.constant dense<0.000000e+00> : vector<2000xf32>
    %reduce_sum3A_5 = vector.multi_reduction <add>, %add3A, %reduce_sum3A [1] : vector<2000x16xf32> to vector<2000xf32>
    %add3A_6 = arith.constant 1.000000e+00 : f32
    %add3A_7 = vector.broadcast %add3A_6 : f32 to vector<2000xf32>
    %add3A_8 = arith.addf %reduce_sum3A_5, %add3A_7 : vector<2000xf32>
    %rsqrt3A = math.rsqrt %add3A_8 : vector<2000xf32>
    %get3A_9 = arith.constant 0 : index
    %get3A_10 = arith.constant 0 : index
    %get3A_11 = vector.load %arg2[%get3A_9, %get3A_10] : memref<2000x128xf32, #tpu.memory_space<vmem>>, vector<2000x128xf32>
    %broadcast_in_dim3A = vector.shape_cast %rsqrt3A : vector<2000xf32> to vector<2000x1xf32>
    %mul3A = vector.broadcast %broadcast_in_dim3A : vector<2000x1xf32> to vector<2000x128xf32>
    %mul3A_12 = arith.mulf %get3A_11, %mul3A : vector<2000x128xf32>
    %swap3A = arith.constant 0 : index
    %swap3A_13 = arith.constant 0 : index
    %swap3A_14 = vector.load %arg3[%swap3A, %swap3A_13] : memref<2000x128xf32, #tpu.memory_space<vmem>>, vector<2000x128xf32>
    tpu.vector_store %arg3[%swap3A, %swap3A_13], %mul3A_12 {strides = array<i32>} : memref<2000x128xf32, #tpu.memory_space<vmem>>, vector<2000x128xf32>,
    return
  }
  func.func @transform_0(%arg0: i32) -> (i32, i32, i32) {
    %c0_i32 = arith.constant 0 : i32
    %c0_i32_0 = arith.constant 0 : i32
    %c0_i32_1 = arith.constant 0 : i32
    return %c0_i32, %arg0, %c0_i32_0 : i32, i32, i32
  }
  func.func @transform_1(%arg0: i32) -> (i32, i32) {
    %c0_i32 = arith.constant 0 : i32
    %c0_i32_0 = arith.constant 0 : i32
    return %arg0, %c0_i32 : i32, i32
  }
  func.func @transform_2(%arg0: i32) -> (i32, i32) {
    %c0_i32 = arith.constant 0 : i32
    %c0_i32_0 = arith.constant 0 : i32
    return %arg0, %c0_i32 : i32, i32
  }
}

module attributes {stable_mosaic.version = 14 : i64} {
  func.func @body(%arg0: i32, %arg1: memref<2x1000x128xf32, #tpu.memory_space<vmem>>, %arg2: memref<1000x128xf32, #tpu.memory_space<vmem>>, %arg3: memref<2x1000x16xf32, #tpu.memory_space<vmem>>, %arg4: memref<128x256xf32, #tpu.memory_space<vmem>>, %arg5: memref<1x256xf32, #tpu.memory_space<vmem>>, %arg6: memref<256x48xf32, #tpu.memory_space<vmem>>, %arg7: memref<1000x48xf32, #tpu.memory_space<vmem>>) attributes {dimension_semantics = [#tpu.dimension_semantics<arbitrary>], iteration_bounds = array<i64: 10>, scalar_prefetch = 0 : i64, scratch_operands = 0 : i64, tpu.core_type = #tpu.core_type<tc>, window_params = [{transform_indices = @transform_0, window_bounds = array<i64: 2, 1000, 128>}, {transform_indices = @transform_1, window_bounds = array<i64: 1000, 128>}, {transform_indices = @transform_2, window_bounds = array<i64: 2, 1000, 16>}, {pipeline_mode = #tpu.pipeline_mode<synchronous>, transform_indices = @transform_3, window_bounds = array<i64: 128, 256>}, {pipeline_mode = #tpu.pipeline_mode<synchronous>, transform_indices = @transform_4, window_bounds = array<i64: 1, 256>}, {pipeline_mode = #tpu.pipeline_mode<synchronous>, transform_indices = @transform_5, window_bounds = array<i64: 256, 48>}, {transform_indices = @transform_6, window_bounds = array<i64: 1000, 48>}]} {
    %get3A = arith.constant 0 : index
    %get3A_0 = arith.constant 0 : index
    %get3A_1 = arith.constant 0 : index
    %get3A_2 = vector.load %arg3[%get3A, %get3A_0, %get3A_1] : memref<2x1000x16xf32, #tpu.memory_space<vmem>>, vector<2x1000x16xf32>
    %slice3A = vector.extract_strided_slice %get3A_2 {offsets = [0, 0, 0], sizes = [1, 1000, 16], strides = [1, 1, 1]} : vector<2x1000x16xf32> to vector<1x1000x16xf32>
    %squeeze3A = vector.shape_cast %slice3A : vector<1x1000x16xf32> to vector<1000x16xf32>
    %slice3A_3 = vector.extract_strided_slice %get3A_2 {offsets = [1, 0, 0], sizes = [1, 1000, 16], strides = [1, 1, 1]} : vector<2x1000x16xf32> to vector<1x1000x16xf32>
    %squeeze3A_4 = vector.shape_cast %slice3A_3 : vector<1x1000x16xf32> to vector<1000x16xf32>
    %add3A = arith.addf %squeeze3A, %squeeze3A_4 : vector<1000x16xf32>
    %reduce_sum3A = arith.constant dense<0.000000e+00> : vector<1000xf32>
    %reduce_sum3A_5 = vector.multi_reduction <add>, %add3A, %reduce_sum3A [1] : vector<1000x16xf32> to vector<1000xf32>
    %add3A_6 = arith.constant 1.000000e+00 : f32
    %add3A_7 = vector.broadcast %add3A_6 : f32 to vector<1000xf32>
    %add3A_8 = arith.addf %reduce_sum3A_5, %add3A_7 : vector<1000xf32>
    %rsqrt3A = math.rsqrt %add3A_8 : vector<1000xf32>
    %get3A_9 = arith.constant 0 : index
    %get3A_10 = arith.constant 0 : index
    %get3A_11 = arith.constant 0 : index
    %get3A_12 = vector.load %arg1[%get3A_9, %get3A_10, %get3A_11] : memref<2x1000x128xf32, #tpu.memory_space<vmem>>, vector<2x1000x128xf32>
    %slice3A_13 = vector.extract_strided_slice %get3A_12 {offsets = [0, 0, 0], sizes = [1, 1000, 128], strides = [1, 1, 1]} : vector<2x1000x128xf32> to vector<1x1000x128xf32>
    %squeeze3A_14 = vector.shape_cast %slice3A_13 : vector<1x1000x128xf32> to vector<1000x128xf32>
    %slice3A_15 = vector.extract_strided_slice %get3A_12 {offsets = [1, 0, 0], sizes = [1, 1000, 128], strides = [1, 1, 1]} : vector<2x1000x128xf32> to vector<1x1000x128xf32>
    %squeeze3A_16 = vector.shape_cast %slice3A_15 : vector<1x1000x128xf32> to vector<1000x128xf32>
    %add3A_17 = arith.addf %squeeze3A_14, %squeeze3A_16 : vector<1000x128xf32>
    %get3A_18 = arith.constant 0 : index
    %get3A_19 = arith.constant 0 : index
    %get3A_20 = vector.load %arg2[%get3A_18, %get3A_19] : memref<1000x128xf32, #tpu.memory_space<vmem>>, vector<1000x128xf32>
    %add3A_21 = arith.addf %add3A_17, %get3A_20 : vector<1000x128xf32>
    %broadcast_in_dim3A = vector.shape_cast %rsqrt3A : vector<1000xf32> to vector<1000x1xf32>
    %mul3A = vector.broadcast %broadcast_in_dim3A : vector<1000x1xf32> to vector<1000x128xf32>
    %mul3A_22 = arith.mulf %add3A_21, %mul3A : vector<1000x128xf32>
    %get3A_23 = arith.constant 0 : index
    %get3A_24 = arith.constant 0 : index
    %get3A_25 = vector.load %arg4[%get3A_23, %get3A_24] : memref<128x256xf32, #tpu.memory_space<vmem>>, vector<128x256xf32>
    %dot_general3A = arith.constant dense<0.000000e+00> : vector<1000x256xf32>
    %dot_general3A_26 = tpu.matmul %mul3A_22, %get3A_25, %dot_general3A {dimension_numbers = #tpu.dot_dimension_numbers<[1], [0], [0], [1], [0, 0, 1, 1], [], []>, transpose_lhs_hint = false} : vector<1000x128xf32>, vector<128x256xf32>, vector<1000x256xf32> -> vector<1000x256xf32>
    %get3A_27 = arith.constant 0 : index
    %get3A_28 = arith.constant 0 : index
    %get3A_29 = vector.load %arg5[%get3A_27, %get3A_28] : memref<1x256xf32, #tpu.memory_space<vmem>>, vector<1x256xf32>
    %add3A_30 = vector.broadcast %get3A_29 : vector<1x256xf32> to vector<1000x256xf32>
    %add3A_31 = arith.addf %dot_general3A_26, %add3A_30 : vector<1000x256xf32>
    %max3A = arith.constant 0.000000e+00 : f32
    %max3A_32 = vector.broadcast %max3A : f32 to vector<1000x256xf32>
    %max3A_33 = arith.maximumf %add3A_31, %max3A_32 : vector<1000x256xf32>
    %get3A_34 = arith.constant 0 : index
    %get3A_35 = arith.constant 0 : index
    %get3A_36 = vector.load %arg6[%get3A_34, %get3A_35] : memref<256x48xf32, #tpu.memory_space<vmem>>, vector<256x48xf32>
    %dot_general3A_37 = arith.constant dense<0.000000e+00> : vector<1000x48xf32>
    %dot_general3A_38 = tpu.matmul %max3A_33, %get3A_36, %dot_general3A_37 {dimension_numbers = #tpu.dot_dimension_numbers<[1], [0], [0], [1], [0, 0, 1, 1], [], []>, transpose_lhs_hint = false} : vector<1000x256xf32>, vector<256x48xf32>, vector<1000x48xf32> -> vector<1000x48xf32>
    %broadcast_in_dim3A_39 = vector.shape_cast %rsqrt3A : vector<1000xf32> to vector<1000x1xf32>
    %mul3A_40 = vector.broadcast %broadcast_in_dim3A_39 : vector<1000x1xf32> to vector<1000x48xf32>
    %mul3A_41 = arith.mulf %dot_general3A_38, %mul3A_40 : vector<1000x48xf32>
    %swap3A = arith.constant 0 : index
    %swap3A_42 = arith.constant 0 : index
    %swap3A_43 = vector.load %arg7[%swap3A, %swap3A_42] : memref<1000x48xf32, #tpu.memory_space<vmem>>, vector<1000x48xf32>
    tpu.vector_store %arg7[%swap3A, %swap3A_42], %mul3A_41 {strides = array<i32>} : memref<1000x48xf32, #tpu.memory_space<vmem>>, vector<1000x48xf32>,
    return
  }
  func.func @transform_0(%arg0: i32) -> (i32, i32, i32) {
    %c0_i32 = arith.constant 0 : i32
    %c0_i32_0 = arith.constant 0 : i32
    %c0_i32_1 = arith.constant 0 : i32
    return %c0_i32, %arg0, %c0_i32_0 : i32, i32, i32
  }
  func.func @transform_1(%arg0: i32) -> (i32, i32) {
    %c0_i32 = arith.constant 0 : i32
    %c0_i32_0 = arith.constant 0 : i32
    return %arg0, %c0_i32 : i32, i32
  }
  func.func @transform_2(%arg0: i32) -> (i32, i32, i32) {
    %c0_i32 = arith.constant 0 : i32
    %c0_i32_0 = arith.constant 0 : i32
    %c0_i32_1 = arith.constant 0 : i32
    return %c0_i32, %arg0, %c0_i32_0 : i32, i32, i32
  }
  func.func @transform_3(%arg0: i32) -> (i32, i32) {
    %c0_i32 = arith.constant 0 : i32
    %c0_i32_0 = arith.constant 0 : i32
    %c0_i32_1 = arith.constant 0 : i32
    return %c0_i32, %c0_i32_0 : i32, i32
  }
  func.func @transform_4(%arg0: i32) -> (i32, i32) {
    %c0_i32 = arith.constant 0 : i32
    %c0_i32_0 = arith.constant 0 : i32
    %c0_i32_1 = arith.constant 0 : i32
    return %c0_i32, %c0_i32_0 : i32, i32
  }
  func.func @transform_5(%arg0: i32) -> (i32, i32) {
    %c0_i32 = arith.constant 0 : i32
    %c0_i32_0 = arith.constant 0 : i32
    %c0_i32_1 = arith.constant 0 : i32
    return %c0_i32, %c0_i32_0 : i32, i32
  }
  func.func @transform_6(%arg0: i32) -> (i32, i32) {
    %c0_i32 = arith.constant 0 : i32
    %c0_i32_0 = arith.constant 0 : i32
    return %arg0, %c0_i32 : i32, i32
  }
}

module attributes {stable_mosaic.version = 14 : i64} {
  func.func @body(%arg0: i32, %arg1: memref<2x2000x48xf32, #tpu.memory_space<vmem>>, %arg2: memref<2000x48xf32, #tpu.memory_space<vmem>>, %arg3: memref<2x2000x16xf32, #tpu.memory_space<vmem>>, %arg4: memref<1x48xf32, #tpu.memory_space<vmem>>, %arg5: memref<2000x40xf32, #tpu.memory_space<vmem>>) attributes {dimension_semantics = [#tpu.dimension_semantics<arbitrary>], iteration_bounds = array<i64: 5>, scalar_prefetch = 0 : i64, scratch_operands = 0 : i64, tpu.core_type = #tpu.core_type<tc>, window_params = [{transform_indices = @transform_0, window_bounds = array<i64: 2, 2000, 48>}, {transform_indices = @transform_1, window_bounds = array<i64: 2000, 48>}, {transform_indices = @transform_2, window_bounds = array<i64: 2, 2000, 16>}, {pipeline_mode = #tpu.pipeline_mode<synchronous>, transform_indices = @transform_3, window_bounds = array<i64: 1, 48>}, {transform_indices = @transform_4, window_bounds = array<i64: 2000, 40>}]} {
    %get3A = arith.constant 0 : index
    %get3A_0 = arith.constant 0 : index
    %get3A_1 = arith.constant 0 : index
    %get3A_2 = vector.load %arg3[%get3A, %get3A_0, %get3A_1] : memref<2x2000x16xf32, #tpu.memory_space<vmem>>, vector<2x2000x16xf32>
    %slice3A = vector.extract_strided_slice %get3A_2 {offsets = [0, 0, 0], sizes = [1, 2000, 16], strides = [1, 1, 1]} : vector<2x2000x16xf32> to vector<1x2000x16xf32>
    %squeeze3A = vector.shape_cast %slice3A : vector<1x2000x16xf32> to vector<2000x16xf32>
    %slice3A_3 = vector.extract_strided_slice %get3A_2 {offsets = [1, 0, 0], sizes = [1, 2000, 16], strides = [1, 1, 1]} : vector<2x2000x16xf32> to vector<1x2000x16xf32>
    %squeeze3A_4 = vector.shape_cast %slice3A_3 : vector<1x2000x16xf32> to vector<2000x16xf32>
    %add3A = arith.addf %squeeze3A, %squeeze3A_4 : vector<2000x16xf32>
    %reduce_sum3A = arith.constant dense<0.000000e+00> : vector<2000xf32>
    %reduce_sum3A_5 = vector.multi_reduction <add>, %add3A, %reduce_sum3A [1] : vector<2000x16xf32> to vector<2000xf32>
    %add3A_6 = arith.constant 1.000000e+00 : f32
    %add3A_7 = vector.broadcast %add3A_6 : f32 to vector<2000xf32>
    %add3A_8 = arith.addf %reduce_sum3A_5, %add3A_7 : vector<2000xf32>
    %rsqrt3A = math.rsqrt %add3A_8 : vector<2000xf32>
    %get3A_9 = arith.constant 0 : index
    %get3A_10 = arith.constant 0 : index
    %get3A_11 = arith.constant 0 : index
    %get3A_12 = vector.load %arg1[%get3A_9, %get3A_10, %get3A_11] : memref<2x2000x48xf32, #tpu.memory_space<vmem>>, vector<2x2000x48xf32>
    %slice3A_13 = vector.extract_strided_slice %get3A_12 {offsets = [0, 0, 0], sizes = [1, 2000, 48], strides = [1, 1, 1]} : vector<2x2000x48xf32> to vector<1x2000x48xf32>
    %squeeze3A_14 = vector.shape_cast %slice3A_13 : vector<1x2000x48xf32> to vector<2000x48xf32>
    %slice3A_15 = vector.extract_strided_slice %get3A_12 {offsets = [1, 0, 0], sizes = [1, 2000, 48], strides = [1, 1, 1]} : vector<2x2000x48xf32> to vector<1x2000x48xf32>
    %squeeze3A_16 = vector.shape_cast %slice3A_15 : vector<1x2000x48xf32> to vector<2000x48xf32>
    %add3A_17 = arith.addf %squeeze3A_14, %squeeze3A_16 : vector<2000x48xf32>
    %get3A_18 = arith.constant 0 : index
    %get3A_19 = arith.constant 0 : index
    %get3A_20 = vector.load %arg2[%get3A_18, %get3A_19] : memref<2000x48xf32, #tpu.memory_space<vmem>>, vector<2000x48xf32>
    %add3A_21 = arith.addf %add3A_17, %get3A_20 : vector<2000x48xf32>
    %broadcast_in_dim3A = vector.shape_cast %rsqrt3A : vector<2000xf32> to vector<2000x1xf32>
    %mul3A = vector.broadcast %broadcast_in_dim3A : vector<2000x1xf32> to vector<2000x48xf32>
    %mul3A_22 = arith.mulf %add3A_21, %mul3A : vector<2000x48xf32>
    %get3A_23 = arith.constant 0 : index
    %get3A_24 = arith.constant 0 : index
    %get3A_25 = vector.load %arg4[%get3A_23, %get3A_24] : memref<1x48xf32, #tpu.memory_space<vmem>>, vector<1x48xf32>
    %add3A_26 = vector.broadcast %get3A_25 : vector<1x48xf32> to vector<2000x48xf32>
    %add3A_27 = arith.addf %mul3A_22, %add3A_26 : vector<2000x48xf32>
    %iota3A = tpu.iota {dimensions = array<i32: 1>} : vector<2000x48xi32>
    %lt3A = arith.constant 40 : i32
    %lt3A_28 = vector.broadcast %lt3A : i32 to vector<2000x48xi32>
    %lt3A_29 = arith.cmpi slt, %iota3A, %lt3A_28 : vector<2000x48xi32>
    %jit3A = arith.constant -1.000000e+30 : f32
    %broadcast_in_dim3A_30 = vector.broadcast %jit3A : f32 to vector<2000x48xf32>
    %select_n3A = arith.select %lt3A_29, %add3A_27, %broadcast_in_dim3A_30 : vector<2000x48xi1>, vector<2000x48xf32>
    %reduce_max3A = arith.constant dense<0xFF800000> : vector<2000xf32>
    %reduce_max3A_31 = vector.multi_reduction <maximumf>, %select_n3A, %reduce_max3A [1] : vector<2000x48xf32> to vector<2000xf32>
    %broadcast_in_dim3A_32 = vector.shape_cast %reduce_max3A_31 : vector<2000xf32> to vector<2000x1xf32>
    %sub3A = vector.broadcast %broadcast_in_dim3A_32 : vector<2000x1xf32> to vector<2000x48xf32>
    %sub3A_33 = arith.subf %select_n3A, %sub3A : vector<2000x48xf32>
    %exp3A = math.exp %sub3A_33 : vector<2000x48xf32>
    %jit3A_34 = arith.constant 0.000000e+00 : f32
    %broadcast_in_dim3A_35 = vector.broadcast %jit3A_34 : f32 to vector<2000x48xf32>
    %select_n3A_36 = arith.select %lt3A_29, %exp3A, %broadcast_in_dim3A_35 : vector<2000x48xi1>, vector<2000x48xf32>
    %reduce_sum3A_37 = arith.constant dense<0.000000e+00> : vector<2000xf32>
    %reduce_sum3A_38 = vector.multi_reduction <add>, %select_n3A_36, %reduce_sum3A_37 [1] : vector<2000x48xf32> to vector<2000xf32>
    %broadcast_in_dim3A_39 = vector.shape_cast %reduce_sum3A_38 : vector<2000xf32> to vector<2000x1xf32>
    %sub3A_40 = vector.broadcast %broadcast_in_dim3A_32 : vector<2000x1xf32> to vector<2000x48xf32>
    %sub3A_41 = arith.subf %add3A_27, %sub3A_40 : vector<2000x48xf32>
    %log3A = math.log %broadcast_in_dim3A_39 : vector<2000x1xf32>
    %sub3A_42 = vector.broadcast %log3A : vector<2000x1xf32> to vector<2000x48xf32>
    %sub3A_43 = arith.subf %sub3A_41, %sub3A_42 : vector<2000x48xf32>
    %slice3A_44 = vector.extract_strided_slice %sub3A_43 {offsets = [0, 0], sizes = [2000, 40], strides = [1, 1]} : vector<2000x48xf32> to vector<2000x40xf32>
    %swap3A = arith.constant 0 : index
    %swap3A_45 = arith.constant 0 : index
    %swap3A_46 = vector.load %arg5[%swap3A, %swap3A_45] : memref<2000x40xf32, #tpu.memory_space<vmem>>, vector<2000x40xf32>
    tpu.vector_store %arg5[%swap3A, %swap3A_45], %slice3A_44 {strides = array<i32>} : memref<2000x40xf32, #tpu.memory_space<vmem>>, vector<2000x40xf32>,
    return
  }
  func.func @transform_0(%arg0: i32) -> (i32, i32, i32) {
    %c0_i32 = arith.constant 0 : i32
    %c0_i32_0 = arith.constant 0 : i32
    %c0_i32_1 = arith.constant 0 : i32
    return %c0_i32, %arg0, %c0_i32_0 : i32, i32, i32
  }
  func.func @transform_1(%arg0: i32) -> (i32, i32) {
    %c0_i32 = arith.constant 0 : i32
    %c0_i32_0 = arith.constant 0 : i32
    return %arg0, %c0_i32 : i32, i32
  }
  func.func @transform_2(%arg0: i32) -> (i32, i32, i32) {
    %c0_i32 = arith.constant 0 : i32
    %c0_i32_0 = arith.constant 0 : i32
    %c0_i32_1 = arith.constant 0 : i32
    return %c0_i32, %arg0, %c0_i32_0 : i32, i32, i32
  }
  func.func @transform_3(%arg0: i32) -> (i32, i32) {
    %c0_i32 = arith.constant 0 : i32
    %c0_i32_0 = arith.constant 0 : i32
    %c0_i32_1 = arith.constant 0 : i32
    return %c0_i32, %c0_i32_0 : i32, i32
  }
  func.func @transform_4(%arg0: i32) -> (i32, i32) {
    %c0_i32 = arith.constant 0 : i32
    %c0_i32_0 = arith.constant 0 : i32
    return %arg0, %c0_i32 : i32, i32
  }
}

</mosaic_0001>

<sc_bundles>
// kernel: kernel.11.cloned.1.call-start
scs
__scs_entry_jumppad:
0x0: {  	(pc) =	sbr.rel $0x88, $3  }
0x1: {  	(tag) =	ssettag $0x0;
	lr =	simm.s32 $0x1  }
0x2: {  	[smem:$0x3F9B] =	sst lr;
	_ =	strace $0xD0000000  }
0x3: {  	_ = 	snop  }
0x4: {  	_ = 	snop  }
0x5: {  	_ = 	snop  }
0x6: {  	_ = 	snop  }
0x7: {  	_ = 	snop  }
__scs_overlays_trampoline_lowered:
0x8: {  	[smem:$0x3FAA] =	sst s0  }
0x9: {  	[smem:$0x3FAB] =	sst s1  }
0xa: {  	[smem:$0x3FAC] =	sst s2  }
0xb: {  	[smem:$0x3FAD] =	sst s3  }
0xc: {  	[smem:$0x3FAE] =	sst s4  }
0xd: {  	[smem:$0x3FAF] =	sst s5  }
0xe: {  	[smem:$0x3FB0] =	sst s6  }
0xf: {  	[smem:$0x3FB1] =	sst s7  }
0x10: {  	[smem:$0x3FB2] =	sst s8  }
0x11: {  	[smem:$0x3FB3] =	sst s9;
	s0 =	simm.s32 @!p0 $0x0  }
0x12: {  	s1 =	sld [smem:$0x3F99];
	s0 =	simm.s32 @p0 $0x1  }
0x13: {  	[smem:$0x3FB4] =	sst s0;
	s0 =	simm.s32 @!p1 $0x0  }
0x14: {  	s2 =	sld [smem:$0x3F98];
	s0 =	simm.s32 @p1 $0x1  }
0x15: {  	[smem:$0x3FB5] =	sst s0;
	s0 =	simm.s32 @!p2 $0x0  }
0x16: {  	s3 =	sld [smem:$0x3FDB];
	s0 =	simm.s32 @p2 $0x1  }
0x17: {  	s4 =	simm.s32 $0x1BF5;
	[smem:$0x3FB7] =	sst s0  }
0x18: {  	s0 =	sld [smem:$0x3F9A];
	_ =	swait.ge [sflag:s4], $0x0  }
0x19: {  	s7 =	sld [smem:$0x3F9B]  }
0x1a: {  	s8 =	sadd.s32 $0xFFFFE003, lr  }
0x1b: {  	s9 =	sadd.s32 $0xFFFFFEF7, lr;
	s5 =	simm.s32 $0xFFFFFFFF;
	p2 =	slt.u32 s8, $0xFFFFF086  }
0x1c: {  	p1 =	slt.u32 s9, $0xF7A;
	s5 =	simm.s32 @!p2 $0x0  }
0x1d: {  	s5 =	simm.s32 @p1 $0x1;
	p0 =	seq.s32 s7, s2  }
0x1e: {  	s7 =	smul.u32 @!p0 $0xF7A, s2;
	p2 =	seq.s32 @!p0 s5, $0x0  }
0x1f: {  	s9 =	smul.u32 $0xF7A, s1;
	s8 =	simm.s32 @!p0 $0x1BF5;
	p2 =	por !p2, p0  }
0x20: {  	[sflag:s8] =	ssyncset.s32 @!p0 $0xFFFFF086;
	s6 =	sadd.s32 @!p0 s3, s7;
	s7 =	simm.s32 @!p0 $0x108  }
0x21: {  	s3 =	sadd.s32 s3, s9;
	s6 =	sadd.s32 @!p0 $0x88, s6;
	s7 =	simm.s32 @p2 $0x1082  }
0x22: {  	[simem:s7], [sflag:s8] =	dma.local @!p0 [hbm:s6], $0xF7A  }
0x23: {  	s9 =	sor.u32 $0xD0000000, s2;
	s6 =	simm.s32 $0x108;
	_ =	swait.ge @!p0 [sflag:s8], $0x0  }
0x24: {  	s3 =	sadd.s32 $0x88, s3;
	s6 =	simm.s32 @!p1 $0x1082;
	[sflag:s4] =	ssyncset.s32 $0xFFFFF086  }
0x25: {  	[simem:s6], [sflag:s4] =	dma.local [hbm:s3], $0xF7A  }
0x26: {  	[smem:$0x3F9B] =	sst s1;
	(tag) =	ssettag s2;
	_ =	strace s9  }
0x27: {  	s1 =	sld [smem:$0x3FAB]  }
0x28: {  	s2 =	sld [smem:$0x3FAC]  }
0x29: {  	s4 =	sld [smem:$0x3FAE]  }
0x2a: {  	p0 =	seq.s32 s5, $0x0;
	s5 =	sld [smem:$0x3FAF]  }
0x2b: {  	s6 =	sld [smem:$0x3FB0]  }
0x2c: {  	s7 =	sld [smem:$0x3FB1]  }
0x2d: {  	s3 =	simm.s32 $0x108;
	s8 =	sld [smem:$0x3FB2]  }
0x2e: {  	s3 =	simm.s32 @!p0 $0x1082;
	s9 =	sld [smem:$0x3FB3]  }
0x2f: {  	lr =	sadd.s32 s0, s3;
	s0 =	sld [smem:$0x3FAA]  }
0x30: {  	s3 =	sld [smem:$0x3FAD]  }
0x31: {  	[smem:$0x3FB6] =	sst s10  }
0x32: {  	s10 =	sld [smem:$0x3FB4];
	_ =	sdelay $0x3  }
0x33: {  	p0 =	seq.s32 s10, $0x1;
	s10 =	sld [smem:$0x3FB6];
	_ =	sdelay $0x3  }
0x34: {  	[smem:$0x3FB6] =	sst s10  }
0x35: {  	s10 =	sld [smem:$0x3FB5];
	_ =	sdelay $0x3  }
0x36: {  	p1 =	seq.s32 s10, $0x1;
	s10 =	sld [smem:$0x3FB6];
	_ =	sdelay $0x3  }
0x37: {  	[smem:$0x3FB6] =	sst s10  }
0x38: {  	s10 =	sld [smem:$0x3FB7]  }
0x39: {  	_ = 	snop;
	(pc) =	sbr.ind lr, $3  }
0x3a: {  	_ = 	snop  }
0x3b: {  	_ = 	snop  }
0x3c: {  	p2 =	seq.s32 s10, $0x1;
	s10 =	sld [smem:$0x3FB6]  }
0x3d: {  	_ =	shalt  }
0x3e: {  	_ =	shalt  }
0x3f: {  	_ =	shalt  }
0x40: {  	_ =	shalt  }
0x41: {  	_ =	shalt  }
0x42: {  	_ =	shalt  }
0x43: {  	_ =	shalt  }
0x44: {  	_ =	shalt  }
0x45: {  	_ =	shalt  }
0x46: {  	_ =	shalt  }
0x47: {  	_ =	shalt  }
0x48: {  	_ =	shalt  }
0x49: {  	_ =	shalt  }
0x4a: {  	_ =	shalt  }
0x4b: {  	_ =	shalt  }
0x4c: {  	_ =	shalt  }
0x4d: {  	_ =	shalt  }
0x4e: {  	_ =	shalt  }
0x4f: {  	_ =	shalt  }
0x50: {  	_ =	shalt  }
0x51: {  	_ =	shalt  }
0x52: {  	_ =	shalt  }
0x53: {  	_ =	shalt  }
0x54: {  	_ =	shalt  }
0x55: {  	_ =	shalt  }
0x56: {  	_ =	shalt  }
0x57: {  	_ =	shalt  }
0x58: {  	_ =	shalt  }
0x59: {  	_ =	shalt  }
0x5a: {  	_ =	shalt  }
0x5b: {  	_ =	shalt  }
0x5c: {  	_ =	shalt  }
0x5d: {  	_ =	shalt  }
0x5e: {  	_ =	shalt  }
0x5f: {  	_ =	shalt  }
0x60: {  	_ =	shalt  }
0x61: {  	_ =	shalt  }
0x62: {  	_ =	shalt  }
0x63: {  	_ =	shalt  }
0x64: {  	_ =	shalt  }
0x65: {  	_ =	shalt  }
0x66: {  	_ =	shalt  }
0x67: {  	_ =	shalt  }
0x68: {  	_ =	shalt  }
0x69: {  	_ =	shalt  }
0x6a: {  	_ =	shalt  }
0x6b: {  	_ =	shalt  }
0x6c: {  	_ =	shalt  }
0x6d: {  	_ =	shalt  }
0x6e: {  	_ =	shalt  }
0x6f: {  	_ =	shalt  }
0x70: {  	_ =	shalt  }
0x71: {  	_ =	shalt  }
0x72: {  	_ =	shalt  }
0x73: {  	_ =	shalt  }
0x74: {  	_ =	shalt  }
0x75: {  	_ =	shalt  }
0x76: {  	_ =	shalt  }
0x77: {  	_ =	shalt  }
0x78: {  	_ =	shalt  }
0x79: {  	_ =	shalt  }
0x7a: {  	_ =	shalt  }
0x7b: {  	_ =	shalt  }
0x7c: {  	_ =	shalt  }
0x7d: {  	_ =	shalt  }
0x7e: {  	_ =	shalt  }
0x7f: {  	_ =	shalt  }
0x80: {  	_ =	shalt  }
0x81: {  	_ =	shalt  }
0x82: {  	_ =	shalt  }
0x83: {  	_ =	shalt  }
0x84: {  	_ =	shalt  }
0x85: {  	_ =	shalt  }
0x86: {  	_ =	shalt  }
0x87: {  	_ =	shalt  }
.Lfunc_end0:
.L_simem_size_0:
called_computation.1_lowered:
.L_overlay_start_0:
0x88: {  	s2 =	sld [smem:$0x3FD9]  }
0x89: {  	s3 =	sld [smem:$0x3FFE];
	_ =	sdelay $0x1  }
0x8a: {  	s1 =	srdreg.scid  }
0x8b: {  	s0 =	sand.u32 $0x1, s1  }
0x8c: {  	s17 =	sshll.u32 s0, $0xA;
	s2 =	sadd.s32 s3, s2  }
0x8d: {  	s2 =	sadd.s32 s2, s17  }
0x8e: {  	[smem:$0x3FC2] =	sst s2  }
0x8f: {  	_ = 	snop  }
0x90: {  	s2 =	sld [smem:$0x3FD0];
	(tm) =	ssettm $0x1  }
0x91: {  	s18 =	sld [smem:$0x3FFB];
	_ =	sdelay $0x3  }
0x92: {  	_ =	strace s18  }
0x93: {  	s3 =	sld [smem:$0x3FFC];
	_ =	sdelay $0x3  }
0x94: {  	_ =	strace s3  }
0x95: {  	s3 =	sld [smem:$0x3FFD];
	_ =	sdelay $0x3  }
0x96: {  	_ =	strace s3  }
0x97: {  	_ =	strace $0x8FFFFFFF  }
0x98: {  	s19 =	sld [smem:$0x3FDB];
	_ =	sdelay $0x1  }
0x99: {  	s4 =	simm.s32 $_scs_section_size  }
0x9a: {  	s5 =	simm.s32 $_size__tile_overlayer_lowered;
	s6 =	simm.s32 $_tile_overlayer_lowered  }
0x9b: {  	s22 =	simm.s32 $0x1BFF;
	s21 =	sshll.u32 s6, $0x1;
	s3 =	sadd.s32 s4, s19  }
0x9c: {  	s7 =	simm.s32 $0x0;
	s20 =	sshll.u32 s5, $0x1;
	s5 =	sadd.s32 s21, s3  }
0x9d: {  	[timem:s7], [sflag:s22] =	dma.local [hbm:s5], s20  }
0x9e: {  	_ =	swait.ge [sflag:s22], s20  }
0x9f: {  	s4 =	ssub.s32 $0x0, s20;
	[sflag:s22] =	ssyncset.done $0x0  }
0xa0: {  	[sflag:s22] =	ssyncadd.s32 s4;
	_ =	sdelay $0x1  }
0xa1: {  	s23 =	simm.s32 $0x1B8B  }
0xa2: {  	_ =	swait.ge [sflag:s23], $0x1  }
0xa3: {  	[sflag:s23] =	ssyncset.done $0x0  }
0xa4: {  	s25 =	simm.s32 $0x1B8E;
	s24 =	sld [smem:$0x3FFE];
	[sflag:s23] =	ssyncadd.s32 $0xFFFFFFFF  }
0xa5: {  	s26 =	simm.s32 $execute0_lowered;
	[smem:$0x3FD2] =	sst s25  }
0xa6: {  	s5 =	sshll.u32 s26, $0x1;
	_ =	strace $0x80000049;
	[dreg:$0x1] =	wrdreg $0xFFFFFFFF  }
0xa7: {  	s28 =	simm.s32 $_size_execute0_lowered;
	s3 =	sadd.s32 s3, s5;
	[dreg:$0x0] =	wrdreg $0x0  }
0xa8: {  	s5 =	sshll.u32 s28, $0x1;
	[dreg:$0x2] =	wrdreg s3  }
0xa9: {  	[dreg:$0x3] =	wrdreg s5  }
0xaa: {  	[dreg:$0x4] =	wrdreg $0xC0  }
0xab: {  	_ =	task [dreg:s7], $0x5FFFF  }
0xac: {  	[dreg:$0x1] =	wrdreg $0xFFFFFFFF  }
0xad: {  	[dreg:$0x0] =	wrdreg $0x60  }
0xae: {  	[dreg:$0x2] =	wrdreg s24  }
0xaf: {  	[dreg:$0x3] =	wrdreg s2  }
0xb0: {  	[dreg:$0x4] =	wrdreg $0xA8000  }
0xb1: {  	[dreg:$0x5] =	wrdreg $0x9  }
0xb2: {  	_ =	task.clear_ibuf [dreg:s7], $0x6FFFF;
	_ =	strace $0x90000049  }
0xb3: {  	s29 =	simm.s32 $0x9;
	_ =	strace $0x8000004B  }
0xb4: {  	_ =	swait.ge [sflag:s29], $0x1  }
0xb5: {  	[sflag:s29] =	ssyncadd.s32 $0xFFFFFFFF  }
0xb6: {  	_ =	strace $0x9000004B  }
0xb7: {  	_ =	sfence  }
0xb8: {  	s30 =	sld [smem:$0x0];
	_ =	sdelay $0x2  }
0xb9: {  	s31 =	sshll.u32 s1, $0xD;
	s1 =	sshrl.u32 s1, $0x2  }
0xba: {  	s3 =	sand.u32 $0x4000, s31;
	s1 =	sadd.s32 s1, s30  }
0xbb: {  	s0 =	sor.u32 s3, s0;
	s1 =	sshll.u32 s1, $0x11  }
0xbc: {  	s0 =	sor.u32 s1, s0  }
0xbd: {  	s0 =	sadd.s32 $0x8F2B, s0  }
0xbe: {  	[sflag:s0] =	ssyncadd.remote.s32 $0x1  }
0xbf: {  	_ =	sfence.sel $0xFFFF  }
0xc0: {  	[dreg:$0x0] =	wrdreg $0xFFFFFFFF;
	(pc) =	sbr.abs _section_cstart, $3  }
0xc1: {  	[dreg:$0x1] =	wrdreg $0xFFFFFFFF  }
0xc2: {  	_ =	task.clear_ibuf [dreg:s7], $0x2FFFF;
	_ =	strace $0x9FFFFFFF  }
0xc3: {  	(tm) =	ssettm $0x7FFFFFFF  }
tec
execute0_lowered:
.L_overlay_start_1:
0x0: {  	(tag) =	ssettag $0x1  }
0x1: {  	s5 =	rddreg [dreg:$0x0]  }
0x2: {  	s15 =	rddreg [dreg:$0x1];
	s0 =	srdreg.scid  }
0x3: {  	s2 =	rddreg [dreg:$0x2];
	s1 =	stileid.u32  }
0x4: {  	s3 =	simm.s32 $0x0;
	s17 =	simm.s32 $0x3;
	s18 =	simm.s32 $0x1400  }
0x5: {  	s19 =	simm.s32 $0x80;
	s20 =	simm.s32 $0x6800;
	s21 =	simm.s32 $0x1  }
0x6: {  	s22 =	simm.s32 $0x2;
	s23 =	simm.s32 $0x1380;
	s24 =	simm.s32 $0x2700  }
0x7: {  	s6 =	sand.u32 $0x1, s0;
	s0 =	rddreg [dreg:$0x3];
	s8 =	smul.u32 $0x14000, s1  }
0x8: {  	s25 =	simm.s32 $0x2780;
	[smem:$0x7FF] =	sst s3;
	s9 =	smul.u32 $0x50000, s1  }
0x9: {  	s4 =	sadd.s32 $0x5BE00, s5;
	s14 =	sadd.s32 $0x1E00, s5;
	s7 =	smul.u32 $0x140000, s6  }
0xa: {  	_ =	strace $0x8000004A;
	s26 =	ssub.s32 $0x2, s6;
	s29 =	sshll.u32 s6, $0x4  }
0xb: {  	s28 =	sshrl.u32 s26, $0x1;
	s31 =	sor.u32 s1, s29;
	s7 =	sadd.s32 s8, s7  }
0xc: {  	s30 =	sshrl.u32 s9, $0x2;
	s16 =	smul.u32 $0x500, s31;
	s7 =	sshrl.u32 s7, $0x3  }
0xd: {  	s8 =	ssub.s32 s26, s28;
	s7 =	sadd.s32 s7, s5;
	s5 =	sadd.s32 s30, s2  }
0xe: {  	s12 =	sadd.s32 s14, s16;
	s13 =	sadd.s32 s15, s16;
	s16 =	sadd.s32 $0x280, s16  }
0xf: {  	s6 =	sadd.s32 $0x83000, s7;
	s7 =	smax.u32 s8, $0x1;
	s8 =	sadd.s32 $0x4000, s5  }
0x10: {  	s9 =	sadd.s32 $0x8000, s5;
	s10 =	sadd.s32 $0xC000, s5;
	s11 =	sadd.s32 $0x10000, s5  }
0x11: {  	v0 =	vimm.f32 $0.0e+00;
	s14 =	sadd.s32 s14, s16;
	s15 =	sadd.s32 s15, s16;
	s16 =	simm.s32 $0x2800  }
.LBB2_1:
0x12: {  	s26 =	simm.s32 $0x0;
	s28 =	simm.s32 $0x200  }
.LBB2_2:
0x13: {  	p0 =	sne.s32 s28, $0xFE00;
	[tilespmem:s26+$0x2870] =	vst v0  }
0x14: {  	[tilespmem:s26+$0x2800] =	vst v0  }
0x15: {  	[tilespmem:s26+$0x2810] =	vst v0  }
.Ltmp0:
0x16: {  	[tilespmem:s26+$0x2820] =	vst v0;
	(pc) =	sbr.rel @p0 .LBB2_2-.Ltmp0, $4  }
0x17: {  	[tilespmem:s26+$0x2830] =	vst v0  }
0x18: {  	[tilespmem:s26+$0x2840] =	vst v0  }
0x19: {  	[tilespmem:s26+$0x2850] =	vst v0  }
0x1a: {  	[tilespmem:s26+$0x2860] =	vst v0;
	s26 =	sshra.s32 s28, $0x2;
	s28 =	sadd.s32 $0x200, s28  }
0x1b: {  	[tilespmem:s26+$0x2870] =	vst v0  }
0x1c: {  	[tilespmem:s26+$0x2800] =	vst v0  }
0x1d: {  	[tilespmem:s26+$0x2810] =	vst v0  }
0x1e: {  	[tilespmem:s26+$0x2820] =	vst v0  }
0x1f: {  	[tilespmem:s26+$0x2830] =	vst v0  }
0x20: {  	[tilespmem:s26+$0x2840] =	vst v0  }
0x21: {  	[tilespmem:s26+$0x2850] =	vst v0  }
0x22: {  	[tilespmem:s26+$0x2860] =	vst v0  }
0x23: {  	[spmem:s5] =	stream.linear.scatter [tilespmem:s16], [sflag:$0x3], $0x4000, $0x38;
	[tilespmem:$0x1E800] =	vst v63  }
0x24: {  	_ =	swait.ge [sflag:s17], $0x4000  }
0x25: {  	[sflag:s17] =	ssyncset.done $0x0  }
0x26: {  	[sflag:s17] =	ssyncadd.s32 $0xFFFFC000  }
0x27: {  	[spmem:s8] =	stream.linear.scatter [tilespmem:s16], [sflag:$0x3], $0x4000, $0x38;
	[tilespmem:$0x1E800] =	vst v63  }
0x28: {  	_ =	swait.ge [sflag:s17], $0x4000  }
0x29: {  	[sflag:s17] =	ssyncset.done $0x0  }
0x2a: {  	[sflag:s17] =	ssyncadd.s32 $0xFFFFC000  }
0x2b: {  	[spmem:s9] =	stream.linear.scatter [tilespmem:s16], [sflag:$0x3], $0x4000, $0x38;
	[tilespmem:$0x1E800] =	vst v63  }
0x2c: {  	_ =	swait.ge [sflag:s17], $0x4000  }
0x2d: {  	[sflag:s17] =	ssyncset.done $0x0  }
0x2e: {  	[sflag:s17] =	ssyncadd.s32 $0xFFFFC000  }
0x2f: {  	[spmem:s10] =	stream.linear.scatter [tilespmem:s16], [sflag:$0x3], $0x4000, $0x38;
	[tilespmem:$0x1E800] =	vst v63  }
0x30: {  	_ =	swait.ge [sflag:s17], $0x4000  }
0x31: {  	[sflag:s17] =	ssyncset.done $0x0  }
0x32: {  	[sflag:s17] =	ssyncadd.s32 $0xFFFFC000  }
0x33: {  	[spmem:s11] =	stream.linear.scatter [tilespmem:s16], [sflag:$0x3], $0x4000, $0x38;
	[tilespmem:$0x1E800] =	vst v63  }
0x34: {  	_ =	swait.ge [sflag:s17], $0x4000  }
0x35: {  	[sflag:s17] =	ssyncset.done $0x0  }
0x36: {  	[sflag:s17] =	ssyncadd.s32 $0xFFFFC000  }
0x37: {  	s30 =	simm.s32 $0x0;
	[bflag:$0x0] =	sbarrier.arrive $0xFFFF  }
0x38: {  	[tilespmem:s30], [sflag:$0x3] =	stream.linear.gather [hbm4b:s12+s30], $0x1400, $0x38;
	[tilespmem:$0x1E800] =	vst v63  }
0x39: {  	_ =	swait.ge [sflag:s17], $0x1400  }
0x3a: {  	[sflag:s17] =	ssyncset.done $0x0  }
0x3b: {  	[sflag:s17] =	ssyncadd.s32 $0xFFFFEC00  }
0x3c: {  	[tilespmem:s18], [sflag:$0x3] =	stream.linear.gather [hbm4b:s13+s30], $0x1400, $0x38;
	[tilespmem:$0x1E800] =	vst v63  }
0x3d: {  	_ =	swait.ge [sflag:s17], $0x1400  }
0x3e: {  	[sflag:s17] =	ssyncset.done $0x0  }
0x3f: {  	[sflag:s17] =	ssyncadd.s32 $0xFFFFEC00  }
0x40: {  	[tilespmem:s16], [sflag:$0x1] =	stream.indirect.gather [hbm4b:s4+s19], $0x80, s30, s19, $0xb8;
	[tilespmem:$0x1E800] =	vst v63  }
0x41: {  	s31 =	simm.s32 $0x80  }
0x42: {  	[tilespmem:s20], [sflag:$0x2] =	stream.indirect.gather [hbm4b:s4+s19], $0x80, s31, s19, $0xb8;
	[tilespmem:$0x1E800] =	vst v63  }
0x43: {  	_ =	swait.ge [sflag:s21], $0x4000  }
0x44: {  	[sflag:s21] =	ssyncset.done $0x0  }
0x45: {  	s29 =	simm.s32 $0x1400;
	[sflag:s21] =	ssyncadd.s32 $0xFFFFC000  }
0x46: {  	[spmem:s2] =	stream.indirect.scatter.add.f32 [tilespmem:s16], [sflag:$0x3], $0x80, s29, s19, $0xb8;
	[tilespmem:$0x1E800] =	vst v63  }
0x47: {  	_ =	swait.ge [sflag:s17], $0x4000  }
0x48: {  	[sflag:s17] =	ssyncset.done $0x0  }
0x49: {  	s30 =	simm.s32 $0x100;
	[sflag:s17] =	ssyncadd.s32 $0xFFFFC000  }
0x4a: {  	[tilespmem:s16], [sflag:$0x1] =	stream.indirect.gather [hbm4b:s4+s19], $0x80, s30, s19, $0xb8;
	[tilespmem:$0x1E800] =	vst v63  }
0x4b: {  	_ =	swait.ge [sflag:s22], $0x4000  }
0x4c: {  	[sflag:s22] =	ssyncset.done $0x0  }
0x4d: {  	s31 =	simm.s32 $0x1480;
	[sflag:s22] =	ssyncadd.s32 $0xFFFFC000  }
0x4e: {  	[spmem:s2] =	stream.indirect.scatter.add.f32 [tilespmem:s20], [sflag:$0x3], $0x80, s31, s19, $0xb8;
	[tilespmem:$0x1E800] =	vst v63  }
0x4f: {  	_ =	swait.ge [sflag:s17], $0x4000  }
0x50: {  	s28 =	simm.s32 $0x800;
	s26 =	simm.s32 $0x100;
	[sflag:s17] =	ssyncset.done $0x0  }
.LBB2_4:
0x51: {  	s29 =	sadd.s32 $0x80, s26  }
0x52: {  	[sflag:s17] =	ssyncadd.s32 $0xFFFFC000;
	s30 =	smov.u32 s28;
	s31 =	sadd.s32 $0x400, s28  }
0x53: {  	[tilespmem:s20], [sflag:$0x2] =	stream.indirect.gather [hbm4b:s4+s19], $0x80, s29, s19, $0xb8;
	[tilespmem:$0x1E800] =	vst v63  }
0x54: {  	p0 =	sne.s32 s28, $0x4800;
	_ =	swait.ge [sflag:s21], $0x4000  }
0x55: {  	[sflag:s21] =	ssyncset.done $0x0  }
0x56: {  	s28 =	sadd.s32 $0x1400, s26;
	[sflag:s21] =	ssyncadd.s32 $0xFFFFC000  }
0x57: {  	[spmem:s2] =	stream.indirect.scatter.add.f32 [tilespmem:s16], [sflag:$0x3], $0x80, s28, s19, $0xb8;
	[tilespmem:$0x1E800] =	vst v63  }
0x58: {  	_ =	swait.ge [sflag:s17], $0x4000  }
0x59: {  	[sflag:s17] =	ssyncset.done $0x0  }
0x5a: {  	s28 =	sadd.s32 $0x100, s26;
	[sflag:s17] =	ssyncadd.s32 $0xFFFFC000  }
0x5b: {  	[tilespmem:s16], [sflag:$0x1] =	stream.indirect.gather [hbm4b:s4+s19], $0x80, s28, s19, $0xb8;
	[tilespmem:$0x1E800] =	vst v63  }
0x5c: {  	_ =	swait.ge [sflag:s22], $0x4000  }
.Ltmp1:
0x5d: {  	[sflag:s22] =	ssyncset.done $0x0;
	(pc) =	sbr.rel @p0 .LBB2_4-.Ltmp1, $4  }
0x5e: {  	s26 =	sadd.s32 $0x1480, s26;
	[sflag:s22] =	ssyncadd.s32 $0xFFFFC000  }
0x5f: {  	[spmem:s2] =	stream.indirect.scatter.add.f32 [tilespmem:s20], [sflag:$0x3], $0x80, s26, s19, $0xb8;
	[tilespmem:$0x1E800] =	vst v63  }
0x60: {  	_ =	swait.ge [sflag:s17], $0x4000  }
0x61: {  	s28 =	smov.u32 s31;
	s26 =	sshra.s32 s30, $0x2;
	[sflag:s17] =	ssyncset.done $0x0  }
0x62: {  	s28 =	sadd.s32 $0x80, s26;
	[sflag:s17] =	ssyncadd.s32 $0xFFFFC000  }
0x63: {  	[tilespmem:s20], [sflag:$0x2] =	stream.indirect.gather [hbm4b:s4+s19], $0x80, s28, s19, $0xb8;
	[tilespmem:$0x1E800] =	vst v63  }
0x64: {  	_ =	swait.ge [sflag:s21], $0x4000  }
0x65: {  	[sflag:s21] =	ssyncset.done $0x0  }
0x66: {  	s28 =	sadd.s32 $0x1400, s26;
	[sflag:s21] =	ssyncadd.s32 $0xFFFFC000  }
0x67: {  	[spmem:s2] =	stream.indirect.scatter.add.f32 [tilespmem:s16], [sflag:$0x3], $0x80, s28, s19, $0xb8;
	[tilespmem:$0x1E800] =	vst v63  }
0x68: {  	_ =	swait.ge [sflag:s17], $0x4000  }
0x69: {  	[sflag:s17] =	ssyncset.done $0x0  }
0x6a: {  	s28 =	sadd.s32 $0x100, s26;
	[sflag:s17] =	ssyncadd.s32 $0xFFFFC000  }
0x6b: {  	[tilespmem:s16], [sflag:$0x1] =	stream.indirect.gather [hbm4b:s4+s19], $0x80, s28, s19, $0xb8;
	[tilespmem:$0x1E800] =	vst v63  }
0x6c: {  	_ =	swait.ge [sflag:s22], $0x4000  }
0x6d: {  	[sflag:s22] =	ssyncset.done $0x0  }
0x6e: {  	s29 =	sadd.s32 $0x1480, s26;
	[sflag:s22] =	ssyncadd.s32 $0xFFFFC000  }
0x6f: {  	[spmem:s2] =	stream.indirect.scatter.add.f32 [tilespmem:s20], [sflag:$0x3], $0x80, s29, s19, $0xb8;
	[tilespmem:$0x1E800] =	vst v63  }
0x70: {  	_ =	swait.ge [sflag:s17], $0x4000  }
0x71: {  	[sflag:s17] =	ssyncset.done $0x0  }
0x72: {  	[sflag:s17] =	ssyncadd.s32 $0xFFFFC000  }
0x73: {  	[tilespmem:s20], [sflag:$0x2] =	stream.indirect.gather [hbm4b:s4+s19], $0x80, s23, s19, $0xb8;
	[tilespmem:$0x1E800] =	vst v63  }
0x74: {  	_ =	swait.ge [sflag:s21], $0x4000  }
0x75: {  	[sflag:s21] =	ssyncset.done $0x0  }
0x76: {  	[sflag:s21] =	ssyncadd.s32 $0xFFFFC000  }
0x77: {  	[spmem:s2] =	stream.indirect.scatter.add.f32 [tilespmem:s16], [sflag:$0x3], $0x80, s24, s19, $0xb8;
	[tilespmem:$0x1E800] =	vst v63  }
0x78: {  	_ =	swait.ge [sflag:s17], $0x4000  }
0x79: {  	[sflag:s17] =	ssyncset.done $0x0  }
0x7a: {  	[sflag:s17] =	ssyncadd.s32 $0xFFFFC000  }
0x7b: {  	_ =	swait.ge [sflag:s22], $0x4000  }
0x7c: {  	[sflag:s22] =	ssyncset.done $0x0  }
0x7d: {  	[sflag:s22] =	ssyncadd.s32 $0xFFFFC000  }
0x7e: {  	[spmem:s2] =	stream.indirect.scatter.add.f32 [tilespmem:s20], [sflag:$0x3], $0x80, s25, s19, $0xb8;
	[tilespmem:$0x1E800] =	vst v63  }
0x7f: {  	_ =	swait.ge [sflag:s17], $0x4000  }
0x80: {  	[sflag:s17] =	ssyncset.done $0x0  }
0x81: {  	s30 =	simm.s32 $0x0;
	[sflag:s17] =	ssyncadd.s32 $0xFFFFC000  }
0x82: {  	[tilespmem:s30], [sflag:$0x3] =	stream.linear.gather [hbm4b:s14+s30], $0x1400, $0x38;
	[tilespmem:$0x1E800] =	vst v63  }
0x83: {  	_ =	swait.ge [sflag:s17], $0x1400  }
0x84: {  	[sflag:s17] =	ssyncset.done $0x0  }
0x85: {  	[sflag:s17] =	ssyncadd.s32 $0xFFFFEC00  }
0x86: {  	[tilespmem:s18], [sflag:$0x3] =	stream.linear.gather [hbm4b:s15+s30], $0x1400, $0x38;
	[tilespmem:$0x1E800] =	vst v63  }
0x87: {  	_ =	swait.ge [sflag:s17], $0x1400  }
0x88: {  	[sflag:s17] =	ssyncset.done $0x0  }
0x89: {  	[sflag:s17] =	ssyncadd.s32 $0xFFFFEC00  }
0x8a: {  	[tilespmem:s16], [sflag:$0x1] =	stream.indirect.gather [hbm4b:s4+s19], $0x80, s30, s19, $0xb8;
	[tilespmem:$0x1E800] =	vst v63  }
0x8b: {  	s31 =	simm.s32 $0x80  }
0x8c: {  	[tilespmem:s20], [sflag:$0x2] =	stream.indirect.gather [hbm4b:s4+s19], $0x80, s31, s19, $0xb8;
	[tilespmem:$0x1E800] =	vst v63  }
0x8d: {  	_ =	swait.ge [sflag:s21], $0x4000  }
0x8e: {  	[sflag:s21] =	ssyncset.done $0x0  }
0x8f: {  	s29 =	simm.s32 $0x1400;
	[sflag:s21] =	ssyncadd.s32 $0xFFFFC000  }
0x90: {  	[spmem:s2] =	stream.indirect.scatter.add.f32 [tilespmem:s16], [sflag:$0x3], $0x80, s29, s19, $0xb8;
	[tilespmem:$0x1E800] =	vst v63  }
0x91: {  	_ =	swait.ge [sflag:s17], $0x4000  }
0x92: {  	[sflag:s17] =	ssyncset.done $0x0  }
0x93: {  	s30 =	simm.s32 $0x100;
	[sflag:s17] =	ssyncadd.s32 $0xFFFFC000  }
0x94: {  	[tilespmem:s16], [sflag:$0x1] =	stream.indirect.gather [hbm4b:s4+s19], $0x80, s30, s19, $0xb8;
	[tilespmem:$0x1E800] =	vst v63  }
0x95: {  	_ =	swait.ge [sflag:s22], $0x4000  }
0x96: {  	[sflag:s22] =	ssyncset.done $0x0  }
0x97: {  	s31 =	simm.s32 $0x1480;
	[sflag:s22] =	ssyncadd.s32 $0xFFFFC000  }
0x98: {  	[spmem:s2] =	stream.indirect.scatter.add.f32 [tilespmem:s20], [sflag:$0x3], $0x80, s31, s19, $0xb8;
	[tilespmem:$0x1E800] =	vst v63  }
0x99: {  	_ =	swait.ge [sflag:s17], $0x4000  }
0x9a: {  	s26 =	simm.s32 $0x100;
	s28 =	simm.s32 $0x800;
	[sflag:s17] =	ssyncset.done $0x0  }
.LBB2_6:
0x9b: {  	s29 =	sadd.s32 $0x80, s26  }
0x9c: {  	[sflag:s17] =	ssyncadd.s32 $0xFFFFC000;
	s30 =	smov.u32 s28;
	s31 =	sadd.s32 $0x400, s28  }
0x9d: {  	[tilespmem:s20], [sflag:$0x2] =	stream.indirect.gather [hbm4b:s4+s19], $0x80, s29, s19, $0xb8;
	[tilespmem:$0x1E800] =	vst v63  }
0x9e: {  	p0 =	sne.s32 s28, $0x4800;
	_ =	swait.ge [sflag:s21], $0x4000  }
0x9f: {  	[sflag:s21] =	ssyncset.done $0x0  }
0xa0: {  	s28 =	sadd.s32 $0x1400, s26;
	[sflag:s21] =	ssyncadd.s32 $0xFFFFC000  }
0xa1: {  	[spmem:s2] =	stream.indirect.scatter.add.f32 [tilespmem:s16], [sflag:$0x3], $0x80, s28, s19, $0xb8;
	[tilespmem:$0x1E800] =	vst v63  }
0xa2: {  	_ =	swait.ge [sflag:s17], $0x4000  }
0xa3: {  	[sflag:s17] =	ssyncset.done $0x0  }
0xa4: {  	s28 =	sadd.s32 $0x100, s26;
	[sflag:s17] =	ssyncadd.s32 $0xFFFFC000  }
0xa5: {  	[tilespmem:s16], [sflag:$0x1] =	stream.indirect.gather [hbm4b:s4+s19], $0x80, s28, s19, $0xb8;
	[tilespmem:$0x1E800] =	vst v63  }
0xa6: {  	_ =	swait.ge [sflag:s22], $0x4000  }
.Ltmp2:
0xa7: {  	[sflag:s22] =	ssyncset.done $0x0;
	(pc) =	sbr.rel @p0 .LBB2_6-.Ltmp2, $4  }
0xa8: {  	s26 =	sadd.s32 $0x1480, s26;
	[sflag:s22] =	ssyncadd.s32 $0xFFFFC000  }
0xa9: {  	[spmem:s2] =	stream.indirect.scatter.add.f32 [tilespmem:s20], [sflag:$0x3], $0x80, s26, s19, $0xb8;
	[tilespmem:$0x1E800] =	vst v63  }
0xaa: {  	_ =	swait.ge [sflag:s17], $0x4000  }
0xab: {  	s28 =	smov.u32 s31;
	s26 =	sshra.s32 s30, $0x2;
	[sflag:s17] =	ssyncset.done $0x0  }
0xac: {  	s28 =	sadd.s32 $0x80, s26;
	[sflag:s17] =	ssyncadd.s32 $0xFFFFC000  }
0xad: {  	[tilespmem:s20], [sflag:$0x2] =	stream.indirect.gather [hbm4b:s4+s19], $0x80, s28, s19, $0xb8;
	[tilespmem:$0x1E800] =	vst v63  }
0xae: {  	_ =	swait.ge [sflag:s21], $0x4000  }
0xaf: {  	[sflag:s21] =	ssyncset.done $0x0  }
0xb0: {  	s30 =	sadd.s32 $0x1400, s26;
	[sflag:s21] =	ssyncadd.s32 $0xFFFFC000  }
0xb1: {  	[spmem:s2] =	stream.indirect.scatter.add.f32 [tilespmem:s16], [sflag:$0x3], $0x80, s30, s19, $0xb8;
	[tilespmem:$0x1E800] =	vst v63  }
0xb2: {  	_ =	swait.ge [sflag:s17], $0x4000  }
0xb3: {  	[sflag:s17] =	ssyncset.done $0x0  }
0xb4: {  	s31 =	sadd.s32 $0x100, s26;
	[sflag:s17] =	ssyncadd.s32 $0xFFFFC000  }
0xb5: {  	[tilespmem:s16], [sflag:$0x1] =	stream.indirect.gather [hbm4b:s4+s19], $0x80, s31, s19, $0xb8;
	[tilespmem:$0x1E800] =	vst v63  }
0xb6: {  	_ =	swait.ge [sflag:s22], $0x4000  }
0xb7: {  	[sflag:s22] =	ssyncset.done $0x0  }
0xb8: {  	s29 =	sadd.s32 $0x1480, s26;
	[sflag:s22] =	ssyncadd.s32 $0xFFFFC000  }
0xb9: {  	[spmem:s2] =	stream.indirect.scatter.add.f32 [tilespmem:s20], [sflag:$0x3], $0x80, s29, s19, $0xb8;
	[tilespmem:$0x1E800] =	vst v63  }
0xba: {  	_ =	swait.ge [sflag:s17], $0x4000  }
0xbb: {  	[sflag:s17] =	ssyncset.done $0x0  }
0xbc: {  	[sflag:s17] =	ssyncadd.s32 $0xFFFFC000  }
0xbd: {  	[tilespmem:s20], [sflag:$0x2] =	stream.indirect.gather [hbm4b:s4+s19], $0x80, s23, s19, $0xb8;
	[tilespmem:$0x1E800] =	vst v63  }
0xbe: {  	_ =	swait.ge [sflag:s21], $0x4000  }
0xbf: {  	[sflag:s21] =	ssyncset.done $0x0  }
0xc0: {  	[sflag:s21] =	ssyncadd.s32 $0xFFFFC000  }
0xc1: {  	[spmem:s2] =	stream.indirect.scatter.add.f32 [tilespmem:s16], [sflag:$0x3], $0x80, s24, s19, $0xb8;
	[tilespmem:$0x1E800] =	vst v63  }
0xc2: {  	_ =	swait.ge [sflag:s17], $0x4000  }
0xc3: {  	[sflag:s17] =	ssyncset.done $0x0  }
0xc4: {  	[sflag:s17] =	ssyncadd.s32 $0xFFFFC000  }
0xc5: {  	_ =	swait.ge [sflag:s22], $0x4000  }
0xc6: {  	[sflag:s22] =	ssyncset.done $0x0  }
0xc7: {  	[sflag:s22] =	ssyncadd.s32 $0xFFFFC000  }
0xc8: {  	[spmem:s2] =	stream.indirect.scatter.add.f32 [tilespmem:s20], [sflag:$0x3], $0x80, s25, s19, $0xb8;
	[tilespmem:$0x1E800] =	vst v63  }
0xc9: {  	_ =	swait.ge [sflag:s17], $0x4000  }
0xca: {  	s3 =	sadd.s32 $0x1, s3;
	s30 =	sshll.u32 s1, $0x6;
	[sflag:s17] =	ssyncset.done $0x0  }
0xcb: {  	p0 =	sne.s32 s3, s7;
	s26 =	sor.u32 $0x1C03, s30;
	[sflag:s17] =	ssyncadd.s32 $0xFFFFC000  }
.Ltmp3:
0xcc: {  	s31 =	sshrl.u32 s5, $0x3;
	[bflag:$0x0] =	sbarrier.arrive $0xFFFF;
	(pc) =	sbr.rel @p0 .LBB2_1-.Ltmp3, $4  }
0xcd: {  	[hbm:s6], [sflag:s26] =	dma.local [spmem:s31], $0x2800  }
0xce: {  	_ =	swait.ge [sflag:s17], $0x2800  }
0xcf: {  	[sflag:s17] =	ssyncset.done $0x0  }
0xd0: {  	[sflag:s17] =	ssyncadd.s32 $0xFFFFD800  }
0xd1: {  	_ =	sfence.sel $0x180000  }
0xd2: {  	[bflag:$0x0] =	sbarrier.arrive $0xFFFF  }
0xd3: {  	p0 =	sne.s32 s1, $0x0;
	_ =	strace $0x9000004A  }
0xd4: {  	s0 =	sadd.s32 @!p0 $0x100000, s0;
	[bflag:$0x2] =	sbarrier.arrive $0xFFFF  }
0xd5: {  	[sflag:s0] =	ssyncadd.tile.s32 @!p0 $0x1;
	_ =	shalt  }
.Lfunc_end2:
_tile_overlayer_lowered:
.L_overlay_start_2:
0xd6: {  	(tag) =	ssettag $0x2  }
0xd7: {  	s0 =	rddreg [dreg:$0x0];
	s2 =	stileid.u32  }
0xd8: {  	s1 =	rddreg [dreg:$0x1];
	p0 =	sne.s32 s2, $0x0  }
0xd9: {  	s3 =	rddreg [dreg:$0x2];
	[bflag:$0x3] =	sbarrier.arrive $0xFFFF;
	s2 =	simm.s32 @!p0 $0x1C03  }
0xda: {  	[timem:s3], [sflag:s2] =	dma.local @!p0 [hbm:s0], s1  }
0xdb: {  	s0 =	simm.s32 @!p0 $0x3  }
0xdc: {  	_ =	swait.ge @!p0 [sflag:s0], s1  }
0xdd: {  	s1 =	ssub.s32 @!p0 $0x0, s1;
	[sflag:s0] =	ssyncset.done @!p0 $0x0  }
0xde: {  	[sflag:s0] =	ssyncadd.s32 @!p0 s1  }
0xdf: {  	[bflag:$0x3] =	sbarrier.arrive $0xFFFF  }
0xe0: {  	_ =	shalt  }

// kernel: kernel.14.cloned.1.call-start
scs
__scs_entry_jumppad:
0x0: {  	(pc) =	sbr.rel $0x88, $3  }
0x1: {  	(tag) =	ssettag $0x0;
	lr =	simm.s32 $0x1  }
0x2: {  	[smem:$0x3F9B] =	sst lr;
	_ =	strace $0xD0000000  }
0x3: {  	_ = 	snop  }
0x4: {  	_ = 	snop  }
0x5: {  	_ = 	snop  }
0x6: {  	_ = 	snop  }
0x7: {  	_ = 	snop  }
__scs_overlays_trampoline_lowered:
0x8: {  	[smem:$0x3FAA] =	sst s0  }
0x9: {  	[smem:$0x3FAB] =	sst s1  }
0xa: {  	[smem:$0x3FAC] =	sst s2  }
0xb: {  	[smem:$0x3FAD] =	sst s3  }
0xc: {  	[smem:$0x3FAE] =	sst s4  }
0xd: {  	[smem:$0x3FAF] =	sst s5  }
0xe: {  	[smem:$0x3FB0] =	sst s6  }
0xf: {  	[smem:$0x3FB1] =	sst s7  }
0x10: {  	[smem:$0x3FB2] =	sst s8  }
0x11: {  	[smem:$0x3FB3] =	sst s9;
	s0 =	simm.s32 @!p0 $0x0  }
0x12: {  	s1 =	sld [smem:$0x3F99];
	s0 =	simm.s32 @p0 $0x1  }
0x13: {  	[smem:$0x3FB4] =	sst s0;
	s0 =	simm.s32 @!p1 $0x0  }
0x14: {  	s2 =	sld [smem:$0x3F98];
	s0 =	simm.s32 @p1 $0x1  }
0x15: {  	[smem:$0x3FB5] =	sst s0;
	s0 =	simm.s32 @!p2 $0x0  }
0x16: {  	s3 =	sld [smem:$0x3FDB];
	s0 =	simm.s32 @p2 $0x1  }
0x17: {  	s4 =	simm.s32 $0x1BF5;
	[smem:$0x3FB7] =	sst s0  }
0x18: {  	s0 =	sld [smem:$0x3F9A];
	_ =	swait.ge [sflag:s4], $0x0  }
0x19: {  	s7 =	sld [smem:$0x3F9B]  }
0x1a: {  	s8 =	sadd.s32 $0xFFFFE003, lr  }
0x1b: {  	s9 =	sadd.s32 $0xFFFFFEF7, lr;
	s5 =	simm.s32 $0xFFFFFFFF;
	p2 =	slt.u32 s8, $0xFFFFF086  }
0x1c: {  	p1 =	slt.u32 s9, $0xF7A;
	s5 =	simm.s32 @!p2 $0x0  }
0x1d: {  	s5 =	simm.s32 @p1 $0x1;
	p0 =	seq.s32 s7, s2  }
0x1e: {  	s7 =	smul.u32 @!p0 $0xF7A, s2;
	p2 =	seq.s32 @!p0 s5, $0x0  }
0x1f: {  	s9 =	smul.u32 $0xF7A, s1;
	s8 =	simm.s32 @!p0 $0x1BF5;
	p2 =	por !p2, p0  }
0x20: {  	[sflag:s8] =	ssyncset.s32 @!p0 $0xFFFFF086;
	s6 =	sadd.s32 @!p0 s3, s7;
	s7 =	simm.s32 @!p0 $0x108  }
0x21: {  	s3 =	sadd.s32 s3, s9;
	s6 =	sadd.s32 @!p0 $0x88, s6;
	s7 =	simm.s32 @p2 $0x1082  }
0x22: {  	[simem:s7], [sflag:s8] =	dma.local @!p0 [hbm:s6], $0xF7A  }
0x23: {  	s9 =	sor.u32 $0xD0000000, s2;
	s6 =	simm.s32 $0x108;
	_ =	swait.ge @!p0 [sflag:s8], $0x0  }
0x24: {  	s3 =	sadd.s32 $0x88, s3;
	s6 =	simm.s32 @!p1 $0x1082;
	[sflag:s4] =	ssyncset.s32 $0xFFFFF086  }
0x25: {  	[simem:s6], [sflag:s4] =	dma.local [hbm:s3], $0xF7A  }
0x26: {  	[smem:$0x3F9B] =	sst s1;
	(tag) =	ssettag s2;
	_ =	strace s9  }
0x27: {  	s1 =	sld [smem:$0x3FAB]  }
0x28: {  	s2 =	sld [smem:$0x3FAC]  }
0x29: {  	s4 =	sld [smem:$0x3FAE]  }
0x2a: {  	p0 =	seq.s32 s5, $0x0;
	s5 =	sld [smem:$0x3FAF]  }
0x2b: {  	s6 =	sld [smem:$0x3FB0]  }
0x2c: {  	s7 =	sld [smem:$0x3FB1]  }
0x2d: {  	s3 =	simm.s32 $0x108;
	s8 =	sld [smem:$0x3FB2]  }
0x2e: {  	s3 =	simm.s32 @!p0 $0x1082;
	s9 =	sld [smem:$0x3FB3]  }
0x2f: {  	lr =	sadd.s32 s0, s3;
	s0 =	sld [smem:$0x3FAA]  }
0x30: {  	s3 =	sld [smem:$0x3FAD]  }
0x31: {  	[smem:$0x3FB6] =	sst s10  }
0x32: {  	s10 =	sld [smem:$0x3FB4];
	_ =	sdelay $0x3  }
0x33: {  	p0 =	seq.s32 s10, $0x1;
	s10 =	sld [smem:$0x3FB6];
	_ =	sdelay $0x3  }
0x34: {  	[smem:$0x3FB6] =	sst s10  }
0x35: {  	s10 =	sld [smem:$0x3FB5];
	_ =	sdelay $0x3  }
0x36: {  	p1 =	seq.s32 s10, $0x1;
	s10 =	sld [smem:$0x3FB6];
	_ =	sdelay $0x3  }
0x37: {  	[smem:$0x3FB6] =	sst s10  }
0x38: {  	s10 =	sld [smem:$0x3FB7]  }
0x39: {  	_ = 	snop;
	(pc) =	sbr.ind lr, $3  }
0x3a: {  	_ = 	snop  }
0x3b: {  	_ = 	snop  }
0x3c: {  	p2 =	seq.s32 s10, $0x1;
	s10 =	sld [smem:$0x3FB6]  }
0x3d: {  	_ =	shalt  }
0x3e: {  	_ =	shalt  }
0x3f: {  	_ =	shalt  }
0x40: {  	_ =	shalt  }
0x41: {  	_ =	shalt  }
0x42: {  	_ =	shalt  }
0x43: {  	_ =	shalt  }
0x44: {  	_ =	shalt  }
0x45: {  	_ =	shalt  }
0x46: {  	_ =	shalt  }
0x47: {  	_ =	shalt  }
0x48: {  	_ =	shalt  }
0x49: {  	_ =	shalt  }
0x4a: {  	_ =	shalt  }
0x4b: {  	_ =	shalt  }
0x4c: {  	_ =	shalt  }
0x4d: {  	_ =	shalt  }
0x4e: {  	_ =	shalt  }
0x4f: {  	_ =	shalt  }
0x50: {  	_ =	shalt  }
0x51: {  	_ =	shalt  }
0x52: {  	_ =	shalt  }
0x53: {  	_ =	shalt  }
0x54: {  	_ =	shalt  }
0x55: {  	_ =	shalt  }
0x56: {  	_ =	shalt  }
0x57: {  	_ =	shalt  }
0x58: {  	_ =	shalt  }
0x59: {  	_ =	shalt  }
0x5a: {  	_ =	shalt  }
0x5b: {  	_ =	shalt  }
0x5c: {  	_ =	shalt  }
0x5d: {  	_ =	shalt  }
0x5e: {  	_ =	shalt  }
0x5f: {  	_ =	shalt  }
0x60: {  	_ =	shalt  }
0x61: {  	_ =	shalt  }
0x62: {  	_ =	shalt  }
0x63: {  	_ =	shalt  }
0x64: {  	_ =	shalt  }
0x65: {  	_ =	shalt  }
0x66: {  	_ =	shalt  }
0x67: {  	_ =	shalt  }
0x68: {  	_ =	shalt  }
0x69: {  	_ =	shalt  }
0x6a: {  	_ =	shalt  }
0x6b: {  	_ =	shalt  }
0x6c: {  	_ =	shalt  }
0x6d: {  	_ =	shalt  }
0x6e: {  	_ =	shalt  }
0x6f: {  	_ =	shalt  }
0x70: {  	_ =	shalt  }
0x71: {  	_ =	shalt  }
0x72: {  	_ =	shalt  }
0x73: {  	_ =	shalt  }
0x74: {  	_ =	shalt  }
0x75: {  	_ =	shalt  }
0x76: {  	_ =	shalt  }
0x77: {  	_ =	shalt  }
0x78: {  	_ =	shalt  }
0x79: {  	_ =	shalt  }
0x7a: {  	_ =	shalt  }
0x7b: {  	_ =	shalt  }
0x7c: {  	_ =	shalt  }
0x7d: {  	_ =	shalt  }
0x7e: {  	_ =	shalt  }
0x7f: {  	_ =	shalt  }
0x80: {  	_ =	shalt  }
0x81: {  	_ =	shalt  }
0x82: {  	_ =	shalt  }
0x83: {  	_ =	shalt  }
0x84: {  	_ =	shalt  }
0x85: {  	_ =	shalt  }
0x86: {  	_ =	shalt  }
0x87: {  	_ =	shalt  }
.Lfunc_end0:
.L_simem_size_0:
called_computation.2_lowered:
.L_overlay_start_0:
0x88: {  	s2 =	sld [smem:$0x3FD9]  }
0x89: {  	s3 =	sld [smem:$0x3FFE];
	_ =	sdelay $0x1  }
0x8a: {  	s1 =	srdreg.scid  }
0x8b: {  	s0 =	sand.u32 $0x1, s1  }
0x8c: {  	s17 =	sshll.u32 s0, $0xA;
	s2 =	sadd.s32 s3, s2  }
0x8d: {  	s2 =	sadd.s32 s2, s17  }
0x8e: {  	[smem:$0x3FC2] =	sst s2  }
0x8f: {  	_ = 	snop  }
0x90: {  	s2 =	sld [smem:$0x3FD0];
	(tm) =	ssettm $0x1  }
0x91: {  	s18 =	sld [smem:$0x3FFB];
	_ =	sdelay $0x3  }
0x92: {  	_ =	strace s18  }
0x93: {  	s3 =	sld [smem:$0x3FFC];
	_ =	sdelay $0x3  }
0x94: {  	_ =	strace s3  }
0x95: {  	s3 =	sld [smem:$0x3FFD];
	_ =	sdelay $0x3  }
0x96: {  	_ =	strace s3  }
0x97: {  	_ =	strace $0x8FFFFFFF  }
0x98: {  	s19 =	sld [smem:$0x3FDB];
	_ =	sdelay $0x1  }
0x99: {  	s4 =	simm.s32 $_scs_section_size  }
0x9a: {  	s5 =	simm.s32 $_size__tile_overlayer_lowered;
	s6 =	simm.s32 $_tile_overlayer_lowered  }
0x9b: {  	s22 =	simm.s32 $0x1BFF;
	s21 =	sshll.u32 s6, $0x1;
	s3 =	sadd.s32 s4, s19  }
0x9c: {  	s7 =	simm.s32 $0x0;
	s20 =	sshll.u32 s5, $0x1;
	s5 =	sadd.s32 s21, s3  }
0x9d: {  	[timem:s7], [sflag:s22] =	dma.local [hbm:s5], s20  }
0x9e: {  	_ =	swait.ge [sflag:s22], s20  }
0x9f: {  	s4 =	ssub.s32 $0x0, s20;
	[sflag:s22] =	ssyncset.done $0x0  }
0xa0: {  	[sflag:s22] =	ssyncadd.s32 s4;
	_ =	sdelay $0x1  }
0xa1: {  	s23 =	simm.s32 $0x1B8B  }
0xa2: {  	_ =	swait.ge [sflag:s23], $0x1  }
0xa3: {  	[sflag:s23] =	ssyncset.done $0x0  }
0xa4: {  	s25 =	simm.s32 $0x1B8E;
	s24 =	sld [smem:$0x3FFE];
	[sflag:s23] =	ssyncadd.s32 $0xFFFFFFFF  }
0xa5: {  	s26 =	simm.s32 $execute0_lowered;
	[smem:$0x3FD2] =	sst s25  }
0xa6: {  	s5 =	sshll.u32 s26, $0x1;
	_ =	strace $0x8000004C;
	[dreg:$0x1] =	wrdreg $0xFFFFFFFF  }
0xa7: {  	s28 =	simm.s32 $_size_execute0_lowered;
	s3 =	sadd.s32 s3, s5;
	[dreg:$0x0] =	wrdreg $0x0  }
0xa8: {  	s5 =	sshll.u32 s28, $0x1;
	[dreg:$0x2] =	wrdreg s3  }
0xa9: {  	[dreg:$0x3] =	wrdreg s5  }
0xaa: {  	[dreg:$0x4] =	wrdreg $0xC0  }
0xab: {  	_ =	task [dreg:s7], $0x5FFFF  }
0xac: {  	[dreg:$0x1] =	wrdreg $0xFFFFFFFF  }
0xad: {  	[dreg:$0x0] =	wrdreg $0x60  }
0xae: {  	[dreg:$0x2] =	wrdreg s24  }
0xaf: {  	[dreg:$0x3] =	wrdreg s2  }
0xb0: {  	[dreg:$0x4] =	wrdreg $0x58000  }
0xb1: {  	[dreg:$0x5] =	wrdreg $0x9  }
0xb2: {  	_ =	task.clear_ibuf [dreg:s7], $0x6FFFF;
	_ =	strace $0x9000004C  }
0xb3: {  	s29 =	simm.s32 $0x9;
	_ =	strace $0x8000004E  }
0xb4: {  	_ =	swait.ge [sflag:s29], $0x1  }
0xb5: {  	[sflag:s29] =	ssyncadd.s32 $0xFFFFFFFF  }
0xb6: {  	_ =	strace $0x9000004E  }
0xb7: {  	_ =	sfence  }
0xb8: {  	s30 =	sld [smem:$0x0];
	_ =	sdelay $0x2  }
0xb9: {  	s31 =	sshll.u32 s1, $0xD;
	s1 =	sshrl.u32 s1, $0x2  }
0xba: {  	s3 =	sand.u32 $0x4000, s31;
	s1 =	sadd.s32 s1, s30  }
0xbb: {  	s0 =	sor.u32 s3, s0;
	s1 =	sshll.u32 s1, $0x11  }
0xbc: {  	s0 =	sor.u32 s1, s0  }
0xbd: {  	s0 =	sadd.s32 $0x8F2B, s0  }
0xbe: {  	[sflag:s0] =	ssyncadd.remote.s32 $0x1  }
0xbf: {  	_ =	sfence.sel $0xFFFF  }
0xc0: {  	[dreg:$0x0] =	wrdreg $0xFFFFFFFF;
	(pc) =	sbr.abs _section_cstart, $3  }
0xc1: {  	[dreg:$0x1] =	wrdreg $0xFFFFFFFF  }
0xc2: {  	_ =	task.clear_ibuf [dreg:s7], $0x2FFFF;
	_ =	strace $0x9FFFFFFF  }
0xc3: {  	(tm) =	ssettm $0x7FFFFFFF  }
tec
execute0_lowered:
.L_overlay_start_1:
0x0: {  	(tag) =	ssettag $0x1  }
0x1: {  	s5 =	rddreg [dreg:$0x0]  }
0x2: {  	s15 =	rddreg [dreg:$0x1]  }
0x3: {  	s1 =	rddreg [dreg:$0x2]  }
0x4: {  	s2 =	srdreg.scid;
	s3 =	simm.s32 $0x0;
	s17 =	simm.s32 $0x3  }
0x5: {  	s18 =	simm.s32 $0x1400;
	s19 =	simm.s32 $0x80;
	s20 =	simm.s32 $0x4000  }
0x6: {  	s21 =	simm.s32 $0x1;
	s22 =	simm.s32 $0x2;
	s23 =	simm.s32 $0x1380  }
0x7: {  	s24 =	simm.s32 $0x2700;
	s6 =	sand.u32 $0x1, s2;
	s2 =	stileid.u32  }
0x8: {  	s26 =	simm.s32 $0x2780;
	[smem:$0x7FF] =	sst s3;
	s7 =	smul.u32 $0x78000, s6  }
0x9: {  	s4 =	sadd.s32 $0x5BE00, s5;
	s14 =	sadd.s32 $0x1E00, s5;
	s8 =	smul.u32 $0x7800, s2  }
0xa: {  	s9 =	ssub.s32 $0x2, s6;
	s11 =	smul.u32 $0x1E000, s2;
	s6 =	sshll.u32 s6, $0x4  }
0xb: {  	_ =	strace $0x8000004D;
	s10 =	sshrl.u32 s9, $0x1;
	s30 =	sor.u32 s2, s6  }
0xc: {  	s7 =	sadd.s32 s8, s7;
	s29 =	ssub.s32 s9, s10;
	s31 =	sshrl.u32 s11, $0x2  }
0xd: {  	s25 =	sadd.s32 s8, s1;
	s13 =	smul.u32 $0x500, s30;
	s7 =	sshrl.u32 s7, $0x3  }
0xe: {  	s6 =	sadd.s32 s31, s1;
	s25 =	sshrl.u32 s25, $0x3;
	s5 =	sadd.s32 s7, s5  }
0xf: {  	s7 =	smax.u32 s29, $0x1;
	s8 =	sadd.s32 $0x1800, s6;
	s9 =	sadd.s32 $0x3000, s6  }
0x10: {  	s10 =	sadd.s32 $0x4800, s6;
	s11 =	sadd.s32 $0x6000, s6;
	s16 =	sadd.s32 $0x280, s13  }
0x11: {  	s12 =	sadd.s32 s14, s13;
	s13 =	sadd.s32 s15, s13;
	s5 =	sadd.s32 $0x6AA00, s5  }
0x12: {  	v0 =	vimm.f32 $0.0e+00;
	s14 =	sadd.s32 s14, s16;
	s15 =	sadd.s32 s15, s16;
	s16 =	simm.s32 $0x2800  }
.LBB2_1:
0x13: {  	s28 =	simm.s32 $0xC0;
	s29 =	simm.s32 $0x0  }
.LBB2_2:
0x14: {  	p0 =	sne.s32 s28, $0x5F40;
	[tilespmem:s29+$0x2820] =	vst v0;
	s30 =	smov.u32 s28;
	s28 =	sadd.s32 $0xC0, s28  }
.Ltmp0:
0x15: {  	[tilespmem:s29+$0x2800] =	vst v0;
	(pc) =	sbr.rel @p0 .LBB2_2-.Ltmp0, $2  }
0x16: {  	[tilespmem:s29+$0x2810] =	vst v0;
	_ =	sdelay $0x2  }
0x17: {  	s29 =	sshra.s32 s30, $0x2  }
0x18: {  	[tilespmem:s29+$0x2820] =	vst v0  }
0x19: {  	[tilespmem:s29+$0x2800] =	vst v0  }
0x1a: {  	[tilespmem:s29+$0x2810] =	vst v0  }
0x1b: {  	[spmem:s6] =	stream.linear.scatter [tilespmem:s16], [sflag:$0x3], $0x1800, $0x38;
	[tilespmem:$0xD000] =	vst v63  }
0x1c: {  	_ =	swait.ge [sflag:s17], $0x1800  }
0x1d: {  	[sflag:s17] =	ssyncset.done $0x0  }
0x1e: {  	[sflag:s17] =	ssyncadd.s32 $0xFFFFE800  }
0x1f: {  	[spmem:s8] =	stream.linear.scatter [tilespmem:s16], [sflag:$0x3], $0x1800, $0x38;
	[tilespmem:$0xD000] =	vst v63  }
0x20: {  	_ =	swait.ge [sflag:s17], $0x1800  }
0x21: {  	[sflag:s17] =	ssyncset.done $0x0  }
0x22: {  	[sflag:s17] =	ssyncadd.s32 $0xFFFFE800  }
0x23: {  	[spmem:s9] =	stream.linear.scatter [tilespmem:s16], [sflag:$0x3], $0x1800, $0x38;
	[tilespmem:$0xD000] =	vst v63  }
0x24: {  	_ =	swait.ge [sflag:s17], $0x1800  }
0x25: {  	[sflag:s17] =	ssyncset.done $0x0  }
0x26: {  	[sflag:s17] =	ssyncadd.s32 $0xFFFFE800  }
0x27: {  	[spmem:s10] =	stream.linear.scatter [tilespmem:s16], [sflag:$0x3], $0x1800, $0x38;
	[tilespmem:$0xD000] =	vst v63  }
0x28: {  	_ =	swait.ge [sflag:s17], $0x1800  }
0x29: {  	[sflag:s17] =	ssyncset.done $0x0  }
0x2a: {  	[sflag:s17] =	ssyncadd.s32 $0xFFFFE800  }
0x2b: {  	[spmem:s11] =	stream.linear.scatter [tilespmem:s16], [sflag:$0x3], $0x1800, $0x38;
	[tilespmem:$0xD000] =	vst v63  }
0x2c: {  	_ =	swait.ge [sflag:s17], $0x1800  }
0x2d: {  	[sflag:s17] =	ssyncset.done $0x0  }
0x2e: {  	[sflag:s17] =	ssyncadd.s32 $0xFFFFE800  }
0x2f: {  	s28 =	simm.s32 $0x0;
	[bflag:$0x0] =	sbarrier.arrive $0xFFFF  }
0x30: {  	[tilespmem:s28], [sflag:$0x3] =	stream.linear.gather [hbm4b:s12+s28], $0x1400, $0x38;
	[tilespmem:$0xD000] =	vst v63  }
0x31: {  	_ =	swait.ge [sflag:s17], $0x1400  }
0x32: {  	[sflag:s17] =	ssyncset.done $0x0  }
0x33: {  	[sflag:s17] =	ssyncadd.s32 $0xFFFFEC00  }
0x34: {  	[tilespmem:s18], [sflag:$0x3] =	stream.linear.gather [hbm4b:s13+s28], $0x1400, $0x38;
	[tilespmem:$0xD000] =	vst v63  }
0x35: {  	_ =	swait.ge [sflag:s17], $0x1400  }
0x36: {  	[sflag:s17] =	ssyncset.done $0x0  }
0x37: {  	[sflag:s17] =	ssyncadd.s32 $0xFFFFEC00  }
0x38: {  	[tilespmem:s16], [sflag:$0x1] =	stream.indirect.gather [hbm4b:s4+s19], $0x30, s28, s19, $0xb8;
	[tilespmem:$0xD000] =	vst v63  }
0x39: {  	s28 =	simm.s32 $0x80  }
0x3a: {  	[tilespmem:s20], [sflag:$0x2] =	stream.indirect.gather [hbm4b:s4+s19], $0x30, s28, s19, $0xb8;
	[tilespmem:$0xD000] =	vst v63  }
0x3b: {  	_ =	swait.ge [sflag:s21], $0x1800  }
0x3c: {  	[sflag:s21] =	ssyncset.done $0x0  }
0x3d: {  	s28 =	simm.s32 $0x1400;
	[sflag:s21] =	ssyncadd.s32 $0xFFFFE800  }
0x3e: {  	[spmem:s1] =	stream.indirect.scatter.add.f32 [tilespmem:s16], [sflag:$0x3], $0x30, s28, s19, $0xb8;
	[tilespmem:$0xD000] =	vst v63  }
0x3f: {  	_ =	swait.ge [sflag:s17], $0x1800  }
0x40: {  	[sflag:s17] =	ssyncset.done $0x0  }
0x41: {  	s28 =	simm.s32 $0x100;
	[sflag:s17] =	ssyncadd.s32 $0xFFFFE800  }
0x42: {  	[tilespmem:s16], [sflag:$0x1] =	stream.indirect.gather [hbm4b:s4+s19], $0x30, s28, s19, $0xb8;
	[tilespmem:$0xD000] =	vst v63  }
0x43: {  	_ =	swait.ge [sflag:s22], $0x1800  }
0x44: {  	[sflag:s22] =	ssyncset.done $0x0  }
0x45: {  	s28 =	simm.s32 $0x1480;
	[sflag:s22] =	ssyncadd.s32 $0xFFFFE800  }
0x46: {  	[spmem:s1] =	stream.indirect.scatter.add.f32 [tilespmem:s20], [sflag:$0x3], $0x30, s28, s19, $0xb8;
	[tilespmem:$0xD000] =	vst v63  }
0x47: {  	_ =	swait.ge [sflag:s17], $0x1800  }
0x48: {  	s29 =	simm.s32 $0x800;
	s28 =	simm.s32 $0x100;
	[sflag:s17] =	ssyncset.done $0x0  }
.LBB2_4:
0x49: {  	s30 =	sadd.s32 $0x80, s28  }
0x4a: {  	[sflag:s17] =	ssyncadd.s32 $0xFFFFE800;
	s31 =	smov.u32 s29;
	s0 =	sadd.s32 $0x400, s29  }
0x4b: {  	[tilespmem:s20], [sflag:$0x2] =	stream.indirect.gather [hbm4b:s4+s19], $0x30, s30, s19, $0xb8;
	[tilespmem:$0xD000] =	vst v63  }
0x4c: {  	p0 =	sne.s32 s29, $0x4800;
	_ =	swait.ge [sflag:s21], $0x1800  }
0x4d: {  	[sflag:s21] =	ssyncset.done $0x0  }
0x4e: {  	s29 =	sadd.s32 $0x1400, s28;
	[sflag:s21] =	ssyncadd.s32 $0xFFFFE800  }
0x4f: {  	[spmem:s1] =	stream.indirect.scatter.add.f32 [tilespmem:s16], [sflag:$0x3], $0x30, s29, s19, $0xb8;
	[tilespmem:$0xD000] =	vst v63  }
0x50: {  	_ =	swait.ge [sflag:s17], $0x1800  }
0x51: {  	[sflag:s17] =	ssyncset.done $0x0  }
0x52: {  	s29 =	sadd.s32 $0x100, s28;
	[sflag:s17] =	ssyncadd.s32 $0xFFFFE800  }
0x53: {  	[tilespmem:s16], [sflag:$0x1] =	stream.indirect.gather [hbm4b:s4+s19], $0x30, s29, s19, $0xb8;
	[tilespmem:$0xD000] =	vst v63  }
0x54: {  	_ =	swait.ge [sflag:s22], $0x1800  }
.Ltmp1:
0x55: {  	[sflag:s22] =	ssyncset.done $0x0;
	(pc) =	sbr.rel @p0 .LBB2_4-.Ltmp1, $4  }
0x56: {  	s28 =	sadd.s32 $0x1480, s28;
	[sflag:s22] =	ssyncadd.s32 $0xFFFFE800  }
0x57: {  	[spmem:s1] =	stream.indirect.scatter.add.f32 [tilespmem:s20], [sflag:$0x3], $0x30, s28, s19, $0xb8;
	[tilespmem:$0xD000] =	vst v63  }
0x58: {  	_ =	swait.ge [sflag:s17], $0x1800  }
0x59: {  	s29 =	smov.u32 s0;
	s28 =	sshra.s32 s31, $0x2;
	[sflag:s17] =	ssyncset.done $0x0  }
0x5a: {  	s0 =	sadd.s32 $0x80, s28;
	[sflag:s17] =	ssyncadd.s32 $0xFFFFE800  }
0x5b: {  	[tilespmem:s20], [sflag:$0x2] =	stream.indirect.gather [hbm4b:s4+s19], $0x30, s0, s19, $0xb8;
	[tilespmem:$0xD000] =	vst v63  }
0x5c: {  	_ =	swait.ge [sflag:s21], $0x1800  }
0x5d: {  	[sflag:s21] =	ssyncset.done $0x0  }
0x5e: {  	s30 =	sadd.s32 $0x1400, s28;
	[sflag:s21] =	ssyncadd.s32 $0xFFFFE800  }
0x5f: {  	[spmem:s1] =	stream.indirect.scatter.add.f32 [tilespmem:s16], [sflag:$0x3], $0x30, s30, s19, $0xb8;
	[tilespmem:$0xD000] =	vst v63  }
0x60: {  	_ =	swait.ge [sflag:s17], $0x1800  }
0x61: {  	[sflag:s17] =	ssyncset.done $0x0  }
0x62: {  	s31 =	sadd.s32 $0x100, s28;
	[sflag:s17] =	ssyncadd.s32 $0xFFFFE800  }
0x63: {  	[tilespmem:s16], [sflag:$0x1] =	stream.indirect.gather [hbm4b:s4+s19], $0x30, s31, s19, $0xb8;
	[tilespmem:$0xD000] =	vst v63  }
0x64: {  	_ =	swait.ge [sflag:s22], $0x1800  }
0x65: {  	[sflag:s22] =	ssyncset.done $0x0  }
0x66: {  	s30 =	sadd.s32 $0x1480, s28;
	[sflag:s22] =	ssyncadd.s32 $0xFFFFE800  }
0x67: {  	[spmem:s1] =	stream.indirect.scatter.add.f32 [tilespmem:s20], [sflag:$0x3], $0x30, s30, s19, $0xb8;
	[tilespmem:$0xD000] =	vst v63  }
0x68: {  	_ =	swait.ge [sflag:s17], $0x1800  }
0x69: {  	[sflag:s17] =	ssyncset.done $0x0  }
0x6a: {  	[sflag:s17] =	ssyncadd.s32 $0xFFFFE800  }
0x6b: {  	[tilespmem:s20], [sflag:$0x2] =	stream.indirect.gather [hbm4b:s4+s19], $0x30, s23, s19, $0xb8;
	[tilespmem:$0xD000] =	vst v63  }
0x6c: {  	_ =	swait.ge [sflag:s21], $0x1800  }
0x6d: {  	[sflag:s21] =	ssyncset.done $0x0  }
0x6e: {  	[sflag:s21] =	ssyncadd.s32 $0xFFFFE800  }
0x6f: {  	[spmem:s1] =	stream.indirect.scatter.add.f32 [tilespmem:s16], [sflag:$0x3], $0x30, s24, s19, $0xb8;
	[tilespmem:$0xD000] =	vst v63  }
0x70: {  	_ =	swait.ge [sflag:s17], $0x1800  }
0x71: {  	[sflag:s17] =	ssyncset.done $0x0  }
0x72: {  	[sflag:s17] =	ssyncadd.s32 $0xFFFFE800  }
0x73: {  	_ =	swait.ge [sflag:s22], $0x1800  }
0x74: {  	[sflag:s22] =	ssyncset.done $0x0  }
0x75: {  	[sflag:s22] =	ssyncadd.s32 $0xFFFFE800  }
0x76: {  	[spmem:s1] =	stream.indirect.scatter.add.f32 [tilespmem:s20], [sflag:$0x3], $0x30, s26, s19, $0xb8;
	[tilespmem:$0xD000] =	vst v63  }
0x77: {  	_ =	swait.ge [sflag:s17], $0x1800  }
0x78: {  	[sflag:s17] =	ssyncset.done $0x0  }
0x79: {  	s31 =	simm.s32 $0x0;
	[sflag:s17] =	ssyncadd.s32 $0xFFFFE800  }
0x7a: {  	[tilespmem:s31], [sflag:$0x3] =	stream.linear.gather [hbm4b:s14+s31], $0x1400, $0x38;
	[tilespmem:$0xD000] =	vst v63  }
0x7b: {  	_ =	swait.ge [sflag:s17], $0x1400  }
0x7c: {  	[sflag:s17] =	ssyncset.done $0x0  }
0x7d: {  	[sflag:s17] =	ssyncadd.s32 $0xFFFFEC00  }
0x7e: {  	[tilespmem:s18], [sflag:$0x3] =	stream.linear.gather [hbm4b:s15+s31], $0x1400, $0x38;
	[tilespmem:$0xD000] =	vst v63  }
0x7f: {  	_ =	swait.ge [sflag:s17], $0x1400  }
0x80: {  	[sflag:s17] =	ssyncset.done $0x0  }
0x81: {  	[sflag:s17] =	ssyncadd.s32 $0xFFFFEC00  }
0x82: {  	[tilespmem:s16], [sflag:$0x1] =	stream.indirect.gather [hbm4b:s4+s19], $0x30, s31, s19, $0xb8;
	[tilespmem:$0xD000] =	vst v63  }
0x83: {  	s30 =	simm.s32 $0x80  }
0x84: {  	[tilespmem:s20], [sflag:$0x2] =	stream.indirect.gather [hbm4b:s4+s19], $0x30, s30, s19, $0xb8;
	[tilespmem:$0xD000] =	vst v63  }
0x85: {  	_ =	swait.ge [sflag:s21], $0x1800  }
0x86: {  	[sflag:s21] =	ssyncset.done $0x0  }
0x87: {  	s31 =	simm.s32 $0x1400;
	[sflag:s21] =	ssyncadd.s32 $0xFFFFE800  }
0x88: {  	[spmem:s1] =	stream.indirect.scatter.add.f32 [tilespmem:s16], [sflag:$0x3], $0x30, s31, s19, $0xb8;
	[tilespmem:$0xD000] =	vst v63  }
0x89: {  	_ =	swait.ge [sflag:s17], $0x1800  }
0x8a: {  	[sflag:s17] =	ssyncset.done $0x0  }
0x8b: {  	s30 =	simm.s32 $0x100;
	[sflag:s17] =	ssyncadd.s32 $0xFFFFE800  }
0x8c: {  	[tilespmem:s16], [sflag:$0x1] =	stream.indirect.gather [hbm4b:s4+s19], $0x30, s30, s19, $0xb8;
	[tilespmem:$0xD000] =	vst v63  }
0x8d: {  	_ =	swait.ge [sflag:s22], $0x1800  }
0x8e: {  	[sflag:s22] =	ssyncset.done $0x0  }
0x8f: {  	s31 =	simm.s32 $0x1480;
	[sflag:s22] =	ssyncadd.s32 $0xFFFFE800  }
0x90: {  	[spmem:s1] =	stream.indirect.scatter.add.f32 [tilespmem:s20], [sflag:$0x3], $0x30, s31, s19, $0xb8;
	[tilespmem:$0xD000] =	vst v63  }
0x91: {  	_ =	swait.ge [sflag:s17], $0x1800  }
0x92: {  	s29 =	simm.s32 $0x800;
	s28 =	simm.s32 $0x100;
	[sflag:s17] =	ssyncset.done $0x0  }
.LBB2_6:
0x93: {  	s0 =	sadd.s32 $0x80, s28  }
0x94: {  	[sflag:s17] =	ssyncadd.s32 $0xFFFFE800;
	s30 =	smov.u32 s29;
	s31 =	sadd.s32 $0x400, s29  }
0x95: {  	[tilespmem:s20], [sflag:$0x2] =	stream.indirect.gather [hbm4b:s4+s19], $0x30, s0, s19, $0xb8;
	[tilespmem:$0xD000] =	vst v63  }
0x96: {  	p0 =	sne.s32 s29, $0x4800;
	_ =	swait.ge [sflag:s21], $0x1800  }
0x97: {  	[sflag:s21] =	ssyncset.done $0x0  }
0x98: {  	s0 =	sadd.s32 $0x1400, s28;
	[sflag:s21] =	ssyncadd.s32 $0xFFFFE800  }
0x99: {  	[spmem:s1] =	stream.indirect.scatter.add.f32 [tilespmem:s16], [sflag:$0x3], $0x30, s0, s19, $0xb8;
	[tilespmem:$0xD000] =	vst v63  }
0x9a: {  	_ =	swait.ge [sflag:s17], $0x1800  }
0x9b: {  	[sflag:s17] =	ssyncset.done $0x0  }
0x9c: {  	s0 =	sadd.s32 $0x100, s28;
	[sflag:s17] =	ssyncadd.s32 $0xFFFFE800  }
0x9d: {  	[tilespmem:s16], [sflag:$0x1] =	stream.indirect.gather [hbm4b:s4+s19], $0x30, s0, s19, $0xb8;
	[tilespmem:$0xD000] =	vst v63  }
0x9e: {  	_ =	swait.ge [sflag:s22], $0x1800  }
.Ltmp2:
0x9f: {  	[sflag:s22] =	ssyncset.done $0x0;
	(pc) =	sbr.rel @p0 .LBB2_6-.Ltmp2, $4  }
0xa0: {  	s0 =	sadd.s32 $0x1480, s28;
	[sflag:s22] =	ssyncadd.s32 $0xFFFFE800  }
0xa1: {  	[spmem:s1] =	stream.indirect.scatter.add.f32 [tilespmem:s20], [sflag:$0x3], $0x30, s0, s19, $0xb8;
	[tilespmem:$0xD000] =	vst v63  }
0xa2: {  	_ =	swait.ge [sflag:s17], $0x1800  }
0xa3: {  	s29 =	smov.u32 s31;
	s28 =	sshra.s32 s30, $0x2;
	[sflag:s17] =	ssyncset.done $0x0  }
0xa4: {  	s0 =	sadd.s32 $0x80, s28;
	[sflag:s17] =	ssyncadd.s32 $0xFFFFE800  }
0xa5: {  	[tilespmem:s20], [sflag:$0x2] =	stream.indirect.gather [hbm4b:s4+s19], $0x30, s0, s19, $0xb8;
	[tilespmem:$0xD000] =	vst v63  }
0xa6: {  	_ =	swait.ge [sflag:s21], $0x1800  }
0xa7: {  	[sflag:s21] =	ssyncset.done $0x0  }
0xa8: {  	s31 =	sadd.s32 $0x1400, s28;
	[sflag:s21] =	ssyncadd.s32 $0xFFFFE800  }
0xa9: {  	[spmem:s1] =	stream.indirect.scatter.add.f32 [tilespmem:s16], [sflag:$0x3], $0x30, s31, s19, $0xb8;
	[tilespmem:$0xD000] =	vst v63  }
0xaa: {  	_ =	swait.ge [sflag:s17], $0x1800  }
0xab: {  	[sflag:s17] =	ssyncset.done $0x0  }
0xac: {  	s29 =	sadd.s32 $0x100, s28;
	[sflag:s17] =	ssyncadd.s32 $0xFFFFE800  }
0xad: {  	[tilespmem:s16], [sflag:$0x1] =	stream.indirect.gather [hbm4b:s4+s19], $0x30, s29, s19, $0xb8;
	[tilespmem:$0xD000] =	vst v63  }
0xae: {  	_ =	swait.ge [sflag:s22], $0x1800  }
0xaf: {  	[sflag:s22] =	ssyncset.done $0x0  }
0xb0: {  	s30 =	sadd.s32 $0x1480, s28;
	[sflag:s22] =	ssyncadd.s32 $0xFFFFE800  }
0xb1: {  	[spmem:s1] =	stream.indirect.scatter.add.f32 [tilespmem:s20], [sflag:$0x3], $0x30, s30, s19, $0xb8;
	[tilespmem:$0xD000] =	vst v63  }
0xb2: {  	_ =	swait.ge [sflag:s17], $0x1800  }
0xb3: {  	[sflag:s17] =	ssyncset.done $0x0  }
0xb4: {  	[sflag:s17] =	ssyncadd.s32 $0xFFFFE800  }
0xb5: {  	[tilespmem:s20], [sflag:$0x2] =	stream.indirect.gather [hbm4b:s4+s19], $0x30, s23, s19, $0xb8;
	[tilespmem:$0xD000] =	vst v63  }
0xb6: {  	_ =	swait.ge [sflag:s21], $0x1800  }
0xb7: {  	[sflag:s21] =	ssyncset.done $0x0  }
0xb8: {  	[sflag:s21] =	ssyncadd.s32 $0xFFFFE800  }
0xb9: {  	[spmem:s1] =	stream.indirect.scatter.add.f32 [tilespmem:s16], [sflag:$0x3], $0x30, s24, s19, $0xb8;
	[tilespmem:$0xD000] =	vst v63  }
0xba: {  	_ =	swait.ge [sflag:s17], $0x1800  }
0xbb: {  	[sflag:s17] =	ssyncset.done $0x0  }
0xbc: {  	[sflag:s17] =	ssyncadd.s32 $0xFFFFE800  }
0xbd: {  	_ =	swait.ge [sflag:s22], $0x1800  }
0xbe: {  	[sflag:s22] =	ssyncset.done $0x0  }
0xbf: {  	[sflag:s22] =	ssyncadd.s32 $0xFFFFE800  }
0xc0: {  	[spmem:s1] =	stream.indirect.scatter.add.f32 [tilespmem:s20], [sflag:$0x3], $0x30, s26, s19, $0xb8;
	[tilespmem:$0xD000] =	vst v63  }
0xc1: {  	_ =	swait.ge [sflag:s17], $0x1800  }
0xc2: {  	s3 =	sadd.s32 $0x1, s3;
	[sflag:s17] =	ssyncset.done $0x0  }
0xc3: {  	p0 =	sne.s32 s3, s7;
	s31 =	sshll.u32 s2, $0x6;
	[sflag:s17] =	ssyncadd.s32 $0xFFFFE800  }
.Ltmp3:
0xc4: {  	s0 =	sor.u32 $0x1C03, s31;
	[bflag:$0x0] =	sbarrier.arrive $0xFFFF;
	(pc) =	sbr.rel @p0 .LBB2_1-.Ltmp3, $4  }
0xc5: {  	[hbm:s5], [sflag:s0] =	dma.local [spmem:s25], $0xF00  }
0xc6: {  	_ =	swait.ge [sflag:s17], $0xF00  }
0xc7: {  	[sflag:s17] =	ssyncset.done $0x0  }
0xc8: {  	[sflag:s17] =	ssyncadd.s32 $0xFFFFF100  }
0xc9: {  	_ =	sfence.sel $0x180000  }
0xca: {  	[bflag:$0x0] =	sbarrier.arrive $0xFFFF  }
0xcb: {  	_ =	strace $0x9000004D  }
0xcc: {  	[bflag:$0x2] =	sbarrier.arrive $0xFFFF  }
0xcd: {  	p0 =	sne.s32 s2, $0x0;
	s0 =	rddreg [dreg:$0x3]  }
0xce: {  	s0 =	sadd.s32 @!p0 $0x100000, s0  }
0xcf: {  	[sflag:s0] =	ssyncadd.tile.s32 @!p0 $0x1;
	_ =	shalt  }
.Lfunc_end2:
_tile_overlayer_lowered:
.L_overlay_start_2:
0xd0: {  	(tag) =	ssettag $0x2  }
0xd1: {  	s0 =	rddreg [dreg:$0x0];
	s2 =	stileid.u32  }
0xd2: {  	s1 =	rddreg [dreg:$0x1];
	p0 =	sne.s32 s2, $0x0  }
0xd3: {  	s3 =	rddreg [dreg:$0x2];
	[bflag:$0x3] =	sbarrier.arrive $0xFFFF;
	s2 =	simm.s32 @!p0 $0x1C03  }
0xd4: {  	[timem:s3], [sflag:s2] =	dma.local @!p0 [hbm:s0], s1  }
0xd5: {  	s0 =	simm.s32 @!p0 $0x3  }
0xd6: {  	_ =	swait.ge @!p0 [sflag:s0], s1  }
0xd7: {  	s1 =	ssub.s32 @!p0 $0x0, s1;
	[sflag:s0] =	ssyncset.done @!p0 $0x0  }
0xd8: {  	[sflag:s0] =	ssyncadd.s32 @!p0 s1  }
0xd9: {  	[bflag:$0x3] =	sbarrier.arrive $0xFFFF  }
0xda: {  	_ =	shalt  }

// kernel: kernel.8.cloned.1.call-start
scs
__scs_entry_jumppad:
0x0: {  	(pc) =	sbr.rel $0x88, $3  }
0x1: {  	(tag) =	ssettag $0x0;
	lr =	simm.s32 $0x1  }
0x2: {  	[smem:$0x3F9B] =	sst lr;
	_ =	strace $0xD0000000  }
0x3: {  	_ = 	snop  }
0x4: {  	_ = 	snop  }
0x5: {  	_ = 	snop  }
0x6: {  	_ = 	snop  }
0x7: {  	_ = 	snop  }
__scs_overlays_trampoline_lowered:
0x8: {  	[smem:$0x3FAA] =	sst s0  }
0x9: {  	[smem:$0x3FAB] =	sst s1  }
0xa: {  	[smem:$0x3FAC] =	sst s2  }
0xb: {  	[smem:$0x3FAD] =	sst s3  }
0xc: {  	[smem:$0x3FAE] =	sst s4  }
0xd: {  	[smem:$0x3FAF] =	sst s5  }
0xe: {  	[smem:$0x3FB0] =	sst s6  }
0xf: {  	[smem:$0x3FB1] =	sst s7  }
0x10: {  	[smem:$0x3FB2] =	sst s8  }
0x11: {  	[smem:$0x3FB3] =	sst s9;
	s0 =	simm.s32 @!p0 $0x0  }
0x12: {  	s1 =	sld [smem:$0x3F99];
	s0 =	simm.s32 @p0 $0x1  }
0x13: {  	[smem:$0x3FB4] =	sst s0;
	s0 =	simm.s32 @!p1 $0x0  }
0x14: {  	s2 =	sld [smem:$0x3F98];
	s0 =	simm.s32 @p1 $0x1  }
0x15: {  	[smem:$0x3FB5] =	sst s0;
	s0 =	simm.s32 @!p2 $0x0  }
0x16: {  	s3 =	sld [smem:$0x3FDB];
	s0 =	simm.s32 @p2 $0x1  }
0x17: {  	s4 =	simm.s32 $0x1BF5;
	[smem:$0x3FB7] =	sst s0  }
0x18: {  	s0 =	sld [smem:$0x3F9A];
	_ =	swait.ge [sflag:s4], $0x0  }
0x19: {  	s7 =	sld [smem:$0x3F9B]  }
0x1a: {  	s8 =	sadd.s32 $0xFFFFE003, lr  }
0x1b: {  	s9 =	sadd.s32 $0xFFFFFEF7, lr;
	s5 =	simm.s32 $0xFFFFFFFF;
	p2 =	slt.u32 s8, $0xFFFFF086  }
0x1c: {  	p1 =	slt.u32 s9, $0xF7A;
	s5 =	simm.s32 @!p2 $0x0  }
0x1d: {  	s5 =	simm.s32 @p1 $0x1;
	p0 =	seq.s32 s7, s2  }
0x1e: {  	s7 =	smul.u32 @!p0 $0xF7A, s2;
	p2 =	seq.s32 @!p0 s5, $0x0  }
0x1f: {  	s9 =	smul.u32 $0xF7A, s1;
	s8 =	simm.s32 @!p0 $0x1BF5;
	p2 =	por !p2, p0  }
0x20: {  	[sflag:s8] =	ssyncset.s32 @!p0 $0xFFFFF086;
	s6 =	sadd.s32 @!p0 s3, s7;
	s7 =	simm.s32 @!p0 $0x108  }
0x21: {  	s3 =	sadd.s32 s3, s9;
	s6 =	sadd.s32 @!p0 $0x88, s6;
	s7 =	simm.s32 @p2 $0x1082  }
0x22: {  	[simem:s7], [sflag:s8] =	dma.local @!p0 [hbm:s6], $0xF7A  }
0x23: {  	s9 =	sor.u32 $0xD0000000, s2;
	s6 =	simm.s32 $0x108;
	_ =	swait.ge @!p0 [sflag:s8], $0x0  }
0x24: {  	s3 =	sadd.s32 $0x88, s3;
	s6 =	simm.s32 @!p1 $0x1082;
	[sflag:s4] =	ssyncset.s32 $0xFFFFF086  }
0x25: {  	[simem:s6], [sflag:s4] =	dma.local [hbm:s3], $0xF7A  }
0x26: {  	[smem:$0x3F9B] =	sst s1;
	(tag) =	ssettag s2;
	_ =	strace s9  }
0x27: {  	s1 =	sld [smem:$0x3FAB]  }
0x28: {  	s2 =	sld [smem:$0x3FAC]  }
0x29: {  	s4 =	sld [smem:$0x3FAE]  }
0x2a: {  	p0 =	seq.s32 s5, $0x0;
	s5 =	sld [smem:$0x3FAF]  }
0x2b: {  	s6 =	sld [smem:$0x3FB0]  }
0x2c: {  	s7 =	sld [smem:$0x3FB1]  }
0x2d: {  	s3 =	simm.s32 $0x108;
	s8 =	sld [smem:$0x3FB2]  }
0x2e: {  	s3 =	simm.s32 @!p0 $0x1082;
	s9 =	sld [smem:$0x3FB3]  }
0x2f: {  	lr =	sadd.s32 s0, s3;
	s0 =	sld [smem:$0x3FAA]  }
0x30: {  	s3 =	sld [smem:$0x3FAD]  }
0x31: {  	[smem:$0x3FB6] =	sst s10  }
0x32: {  	s10 =	sld [smem:$0x3FB4];
	_ =	sdelay $0x3  }
0x33: {  	p0 =	seq.s32 s10, $0x1;
	s10 =	sld [smem:$0x3FB6];
	_ =	sdelay $0x3  }
0x34: {  	[smem:$0x3FB6] =	sst s10  }
0x35: {  	s10 =	sld [smem:$0x3FB5];
	_ =	sdelay $0x3  }
0x36: {  	p1 =	seq.s32 s10, $0x1;
	s10 =	sld [smem:$0x3FB6];
	_ =	sdelay $0x3  }
0x37: {  	[smem:$0x3FB6] =	sst s10  }
0x38: {  	s10 =	sld [smem:$0x3FB7]  }
0x39: {  	_ = 	snop;
	(pc) =	sbr.ind lr, $3  }
0x3a: {  	_ = 	snop  }
0x3b: {  	_ = 	snop  }
0x3c: {  	p2 =	seq.s32 s10, $0x1;
	s10 =	sld [smem:$0x3FB6]  }
0x3d: {  	_ =	shalt  }
0x3e: {  	_ =	shalt  }
0x3f: {  	_ =	shalt  }
0x40: {  	_ =	shalt  }
0x41: {  	_ =	shalt  }
0x42: {  	_ =	shalt  }
0x43: {  	_ =	shalt  }
0x44: {  	_ =	shalt  }
0x45: {  	_ =	shalt  }
0x46: {  	_ =	shalt  }
0x47: {  	_ =	shalt  }
0x48: {  	_ =	shalt  }
0x49: {  	_ =	shalt  }
0x4a: {  	_ =	shalt  }
0x4b: {  	_ =	shalt  }
0x4c: {  	_ =	shalt  }
0x4d: {  	_ =	shalt  }
0x4e: {  	_ =	shalt  }
0x4f: {  	_ =	shalt  }
0x50: {  	_ =	shalt  }
0x51: {  	_ =	shalt  }
0x52: {  	_ =	shalt  }
0x53: {  	_ =	shalt  }
0x54: {  	_ =	shalt  }
0x55: {  	_ =	shalt  }
0x56: {  	_ =	shalt  }
0x57: {  	_ =	shalt  }
0x58: {  	_ =	shalt  }
0x59: {  	_ =	shalt  }
0x5a: {  	_ =	shalt  }
0x5b: {  	_ =	shalt  }
0x5c: {  	_ =	shalt  }
0x5d: {  	_ =	shalt  }
0x5e: {  	_ =	shalt  }
0x5f: {  	_ =	shalt  }
0x60: {  	_ =	shalt  }
0x61: {  	_ =	shalt  }
0x62: {  	_ =	shalt  }
0x63: {  	_ =	shalt  }
0x64: {  	_ =	shalt  }
0x65: {  	_ =	shalt  }
0x66: {  	_ =	shalt  }
0x67: {  	_ =	shalt  }
0x68: {  	_ =	shalt  }
0x69: {  	_ =	shalt  }
0x6a: {  	_ =	shalt  }
0x6b: {  	_ =	shalt  }
0x6c: {  	_ =	shalt  }
0x6d: {  	_ =	shalt  }
0x6e: {  	_ =	shalt  }
0x6f: {  	_ =	shalt  }
0x70: {  	_ =	shalt  }
0x71: {  	_ =	shalt  }
0x72: {  	_ =	shalt  }
0x73: {  	_ =	shalt  }
0x74: {  	_ =	shalt  }
0x75: {  	_ =	shalt  }
0x76: {  	_ =	shalt  }
0x77: {  	_ =	shalt  }
0x78: {  	_ =	shalt  }
0x79: {  	_ =	shalt  }
0x7a: {  	_ =	shalt  }
0x7b: {  	_ =	shalt  }
0x7c: {  	_ =	shalt  }
0x7d: {  	_ =	shalt  }
0x7e: {  	_ =	shalt  }
0x7f: {  	_ =	shalt  }
0x80: {  	_ =	shalt  }
0x81: {  	_ =	shalt  }
0x82: {  	_ =	shalt  }
0x83: {  	_ =	shalt  }
0x84: {  	_ =	shalt  }
0x85: {  	_ =	shalt  }
0x86: {  	_ =	shalt  }
0x87: {  	_ =	shalt  }
.Lfunc_end0:
.L_simem_size_0:
called_computation_lowered:
.L_overlay_start_0:
0x88: {  	s2 =	sld [smem:$0x3FD9]  }
0x89: {  	s3 =	sld [smem:$0x3FFE];
	_ =	sdelay $0x1  }
0x8a: {  	s1 =	srdreg.scid  }
0x8b: {  	s0 =	sand.u32 $0x1, s1  }
0x8c: {  	s17 =	sshll.u32 s0, $0xA;
	s2 =	sadd.s32 s3, s2  }
0x8d: {  	s2 =	sadd.s32 s2, s17  }
0x8e: {  	[smem:$0x3FC2] =	sst s2  }
0x8f: {  	_ = 	snop  }
0x90: {  	s2 =	sld [smem:$0x3FD0];
	(tm) =	ssettm $0x1  }
0x91: {  	s18 =	sld [smem:$0x3FFB];
	_ =	sdelay $0x3  }
0x92: {  	_ =	strace s18  }
0x93: {  	s3 =	sld [smem:$0x3FFC];
	_ =	sdelay $0x3  }
0x94: {  	_ =	strace s3  }
0x95: {  	s3 =	sld [smem:$0x3FFD];
	_ =	sdelay $0x3  }
0x96: {  	_ =	strace s3  }
0x97: {  	_ =	strace $0x8FFFFFFF  }
0x98: {  	s19 =	sld [smem:$0x3FDB];
	_ =	sdelay $0x1  }
0x99: {  	s4 =	simm.s32 $_scs_section_size  }
0x9a: {  	s5 =	simm.s32 $_size__tile_overlayer_lowered;
	s6 =	simm.s32 $_tile_overlayer_lowered  }
0x9b: {  	s22 =	simm.s32 $0x1BFF;
	s21 =	sshll.u32 s6, $0x1;
	s3 =	sadd.s32 s4, s19  }
0x9c: {  	s7 =	simm.s32 $0x0;
	s20 =	sshll.u32 s5, $0x1;
	s5 =	sadd.s32 s21, s3  }
0x9d: {  	[timem:s7], [sflag:s22] =	dma.local [hbm:s5], s20  }
0x9e: {  	_ =	swait.ge [sflag:s22], s20  }
0x9f: {  	s4 =	ssub.s32 $0x0, s20;
	[sflag:s22] =	ssyncset.done $0x0  }
0xa0: {  	[sflag:s22] =	ssyncadd.s32 s4;
	_ =	sdelay $0x1  }
0xa1: {  	s23 =	simm.s32 $0x1B8B  }
0xa2: {  	_ =	swait.ge [sflag:s23], $0x1  }
0xa3: {  	[sflag:s23] =	ssyncset.done $0x0  }
0xa4: {  	s25 =	simm.s32 $0x1B8E;
	s24 =	sld [smem:$0x3FFE];
	[sflag:s23] =	ssyncadd.s32 $0xFFFFFFFF  }
0xa5: {  	s26 =	simm.s32 $execute0_lowered;
	[smem:$0x3FD2] =	sst s25  }
0xa6: {  	s5 =	sshll.u32 s26, $0x1;
	_ =	strace $0x80000046;
	[dreg:$0x1] =	wrdreg $0xFFFFFFFF  }
0xa7: {  	s28 =	simm.s32 $_size_execute0_lowered;
	s3 =	sadd.s32 s3, s5;
	[dreg:$0x0] =	wrdreg $0x0  }
0xa8: {  	s5 =	sshll.u32 s28, $0x1;
	[dreg:$0x2] =	wrdreg s3  }
0xa9: {  	[dreg:$0x3] =	wrdreg s5  }
0xaa: {  	[dreg:$0x4] =	wrdreg $0xC0  }
0xab: {  	_ =	task [dreg:s7], $0x5FFFF  }
0xac: {  	[dreg:$0x1] =	wrdreg $0xFFFFFFFF  }
0xad: {  	[dreg:$0x0] =	wrdreg $0x60  }
0xae: {  	[dreg:$0x2] =	wrdreg s2  }
0xaf: {  	[dreg:$0x3] =	wrdreg s24  }
0xb0: {  	[dreg:$0x4] =	wrdreg $0x38000  }
0xb1: {  	[dreg:$0x5] =	wrdreg $0x9  }
0xb2: {  	_ =	task.clear_ibuf [dreg:s7], $0x6FFFF;
	_ =	strace $0x90000046  }
0xb3: {  	s29 =	simm.s32 $0x9;
	_ =	strace $0x80000048  }
0xb4: {  	_ =	swait.ge [sflag:s29], $0x1  }
0xb5: {  	[sflag:s29] =	ssyncadd.s32 $0xFFFFFFFF  }
0xb6: {  	_ =	strace $0x90000048  }
0xb7: {  	_ =	sfence  }
0xb8: {  	s30 =	sld [smem:$0x0];
	_ =	sdelay $0x2  }
0xb9: {  	s31 =	sshll.u32 s1, $0xD;
	s1 =	sshrl.u32 s1, $0x2  }
0xba: {  	s3 =	sand.u32 $0x4000, s31;
	s1 =	sadd.s32 s1, s30  }
0xbb: {  	s0 =	sor.u32 s3, s0;
	s1 =	sshll.u32 s1, $0x11  }
0xbc: {  	s0 =	sor.u32 s1, s0  }
0xbd: {  	s0 =	sadd.s32 $0x8F2B, s0  }
0xbe: {  	[sflag:s0] =	ssyncadd.remote.s32 $0x1  }
0xbf: {  	_ =	sfence.sel $0xFFFF  }
0xc0: {  	[dreg:$0x0] =	wrdreg $0xFFFFFFFF;
	(pc) =	sbr.abs _section_cstart, $3  }
0xc1: {  	[dreg:$0x1] =	wrdreg $0xFFFFFFFF  }
0xc2: {  	_ =	task.clear_ibuf [dreg:s7], $0x2FFFF;
	_ =	strace $0x9FFFFFFF  }
0xc3: {  	(tm) =	ssettm $0x7FFFFFFF  }
tec
execute0_lowered:
.L_overlay_start_1:
0x0: {  	(tag) =	ssettag $0x1  }
0x1: {  	s5 =	rddreg [dreg:$0x0]  }
0x2: {  	s4 =	rddreg [dreg:$0x1]  }
0x3: {  	s1 =	rddreg [dreg:$0x2]  }
0x4: {  	s2 =	srdreg.scid;
	s0 =	rddreg [dreg:$0x3];
	s3 =	simm.s32 $0x0  }
0x5: {  	s12 =	simm.s32 $0x3000;
	s13 =	simm.s32 $0x1;
	s6 =	sand.u32 $0x1, s2  }
0x6: {  	s14 =	simm.s32 $0x80;
	s2 =	stileid.u32;
	s7 =	smul.u32 $0x28000, s6  }
0x7: {  	s15 =	simm.s32 $0x2800;
	[smem:$0x7FF] =	sst s3;
	s8 =	smul.u32 $0x2800, s2  }
0x8: {  	_ =	strace $0x80000047;
	s9 =	sshll.u32 s2, $0x1;
	s10 =	smul.u32 $0xA000, s2  }
0x9: {  	s11 =	ssub.s32 $0x2, s6;
	s16 =	sshll.u32 s2, $0x6;
	s6 =	sor.u32 s6, s9  }
0xa: {  	s31 =	sshrl.u32 s11, $0x1;
	s16 =	sor.u32 $0x1C01, s16;
	s7 =	sadd.s32 s8, s7  }
0xb: {  	s10 =	sshrl.u32 s10, $0x2;
	s6 =	smul.u32 $0x500, s6;
	s17 =	sadd.s32 s8, s1  }
0xc: {  	s9 =	ssub.s32 s11, s31;
	s7 =	sshrl.u32 s7, $0x3;
	s17 =	sshrl.u32 s17, $0x3  }
0xd: {  	s7 =	sadd.s32 s7, s4;
	s4 =	sadd.s32 s10, s1;
	s5 =	sadd.s32 s5, s6  }
0xe: {  	vm0 =	vcmask $0x300;
	v0 =	vimm.f32 $0.0e+00;
	s6 =	sadd.s32 $0xBE00, s7;
	s7 =	smax.u32 s9, $0x1;
	s8 =	sadd.s32 $0x800, s4  }
0xf: {  	v1 =	vsel vm0, $0x3F800000, v0;
	s9 =	sadd.s32 $0x1000, s4;
	s10 =	sadd.s32 $0x1800, s4;
	s11 =	sadd.s32 $0x2000, s4  }
.LBB2_1:
0x10: {  	s18 =	simm.s32 $0x40;
	s19 =	simm.s32 $0x0  }
.LBB2_2:
0x11: {  	p0 =	sne.s32 s18, $0x1FC0;
	[tilespmem:s19+$0x2800] =	vst v1;
	s20 =	smov.u32 s18;
	s18 =	sadd.s32 $0x40, s18  }
.Ltmp0:
0x12: {  	[tilespmem:s19+$0x3000] =	vst v0;
	(pc) =	sbr.rel @p0 .LBB2_2-.Ltmp0, $2  }
0x13: {  	_ =	sdelay $0x2  }
0x14: {  	s19 =	sshra.s32 s20, $0x2  }
0x15: {  	[tilespmem:s19+$0x2800] =	vst v1  }
0x16: {  	[tilespmem:s19+$0x3000] =	vst v0  }
0x17: {  	[spmem:s4] =	stream.linear.scatter [tilespmem:s12], [sflag:$0x1], $0x800, $0x38;
	[tilespmem:$0x6000] =	vst v63  }
0x18: {  	_ =	swait.ge [sflag:s13], $0x800  }
0x19: {  	[sflag:s13] =	ssyncset.done $0x0  }
0x1a: {  	[sflag:s13] =	ssyncadd.s32 $0xFFFFF800  }
0x1b: {  	[spmem:s8] =	stream.linear.scatter [tilespmem:s12], [sflag:$0x1], $0x800, $0x38;
	[tilespmem:$0x6000] =	vst v63  }
0x1c: {  	_ =	swait.ge [sflag:s13], $0x800  }
0x1d: {  	[sflag:s13] =	ssyncset.done $0x0  }
0x1e: {  	[sflag:s13] =	ssyncadd.s32 $0xFFFFF800  }
0x1f: {  	[spmem:s9] =	stream.linear.scatter [tilespmem:s12], [sflag:$0x1], $0x800, $0x38;
	[tilespmem:$0x6000] =	vst v63  }
0x20: {  	_ =	swait.ge [sflag:s13], $0x800  }
0x21: {  	[sflag:s13] =	ssyncset.done $0x0  }
0x22: {  	[sflag:s13] =	ssyncadd.s32 $0xFFFFF800  }
0x23: {  	[spmem:s10] =	stream.linear.scatter [tilespmem:s12], [sflag:$0x1], $0x800, $0x38;
	[tilespmem:$0x6000] =	vst v63  }
0x24: {  	_ =	swait.ge [sflag:s13], $0x800  }
0x25: {  	[sflag:s13] =	ssyncset.done $0x0  }
0x26: {  	[sflag:s13] =	ssyncadd.s32 $0xFFFFF800  }
0x27: {  	[spmem:s11] =	stream.linear.scatter [tilespmem:s12], [sflag:$0x1], $0x800, $0x38;
	[tilespmem:$0x6000] =	vst v63  }
0x28: {  	_ =	swait.ge [sflag:s13], $0x800  }
0x29: {  	[sflag:s13] =	ssyncset.done $0x0  }
0x2a: {  	s18 =	simm.s32 $0x0;
	[sflag:s13] =	ssyncadd.s32 $0xFFFFF800  }
0x2b: {  	[tilespmem:s18], [sflag:$0x1] =	stream.linear.gather [hbm4b:s5+s18], $0x2800, $0x38;
	[tilespmem:$0x6000] =	vst v63  }
0x2c: {  	_ =	swait.ge [sflag:s13], $0x2800  }
0x2d: {  	[sflag:s13] =	ssyncset.done $0x0  }
0x2e: {  	[sflag:s13] =	ssyncadd.s32 $0xFFFFD800  }
0x2f: {  	s31 =	simm.s32 $0x0;
	[bflag:$0x0] =	sbarrier.arrive $0xFFFF  }
0x30: {  	[spmem:s1] =	stream.indirect.scatter.add.f32 [tilespmem:s15], [sflag:$0x1], $0x10, s31, s14, $0xb8;
	[tilespmem:$0x6000] =	vst v63  }
0x31: {  	_ =	swait.ge [sflag:s13], $0x800  }
0x32: {  	s18 =	simm.s32 $0x200;
	[sflag:s13] =	ssyncset.done $0x0  }
.LBB2_4:
0x33: {  	s19 =	sshra.s32 s18, $0x2;
	[sflag:s13] =	ssyncadd.s32 $0xFFFFF800;
	p0 =	sne.s32 s18, $0x9E00  }
0x34: {  	[spmem:s1] =	stream.indirect.scatter.add.f32 [tilespmem:s15], [sflag:$0x1], $0x10, s19, s14, $0xb8;
	[tilespmem:$0x6000] =	vst v63  }
.Ltmp1:
0x35: {  	_ = 	snop;
	(pc) =	sbr.rel @p0 .LBB2_4-.Ltmp1, $4  }
0x36: {  	_ = 	snop  }
0x37: {  	s18 =	sadd.s32 $0x200, s18  }
0x38: {  	_ =	swait.ge [sflag:s13], $0x800  }
0x39: {  	[sflag:s13] =	ssyncset.done $0x0  }
0x3a: {  	s3 =	sadd.s32 $0x1, s3  }
0x3b: {  	[sflag:s13] =	ssyncadd.s32 $0xFFFFF800;
	p0 =	sne.s32 s3, s7  }
.Ltmp2:
0x3c: {  	[bflag:$0x0] =	sbarrier.arrive $0xFFFF;
	(pc) =	sbr.rel @p0 .LBB2_1-.Ltmp2, $4  }
0x3d: {  	[hbm:s6], [sflag:s16] =	dma.local [spmem:s17], $0x500  }
0x3e: {  	_ =	swait.ge [sflag:s13], $0x500  }
0x3f: {  	[sflag:s13] =	ssyncset.done $0x0  }
0x40: {  	[sflag:s13] =	ssyncadd.s32 $0xFFFFFB00  }
0x41: {  	_ =	sfence.sel $0x180000  }
0x42: {  	[bflag:$0x0] =	sbarrier.arrive $0xFFFF  }
0x43: {  	p0 =	sne.s32 s2, $0x0;
	_ =	strace $0x90000047  }
0x44: {  	s0 =	sadd.s32 @!p0 $0x100000, s0;
	[bflag:$0x2] =	sbarrier.arrive $0xFFFF  }
0x45: {  	[sflag:s0] =	ssyncadd.tile.s32 @!p0 $0x1;
	_ =	shalt  }
.Lfunc_end2:
_tile_overlayer_lowered:
.L_overlay_start_2:
0x46: {  	(tag) =	ssettag $0x2  }
0x47: {  	s0 =	rddreg [dreg:$0x0];
	s2 =	stileid.u32  }
0x48: {  	s1 =	rddreg [dreg:$0x1];
	p0 =	sne.s32 s2, $0x0  }
0x49: {  	s3 =	rddreg [dreg:$0x2];
	[bflag:$0x3] =	sbarrier.arrive $0xFFFF;
	s2 =	simm.s32 @!p0 $0x1C01  }
0x4a: {  	[timem:s3], [sflag:s2] =	dma.local @!p0 [hbm:s0], s1  }
0x4b: {  	s0 =	simm.s32 @!p0 $0x1  }
0x4c: {  	_ =	swait.ge @!p0 [sflag:s0], s1  }
0x4d: {  	s1 =	ssub.s32 @!p0 $0x0, s1;
	[sflag:s0] =	ssyncset.done @!p0 $0x0  }
0x4e: {  	[sflag:s0] =	ssyncadd.s32 @!p0 s1  }
0x4f: {  	[bflag:$0x3] =	sbarrier.arrive $0xFFFF  }
0x50: {  	_ =	shalt  }

</sc_bundles>
